<compile_context>
chip_gen: v7x
topology: tpu7x:2x2x1
jax: 0.10.2.dev20260603
libtpu: 0.0.44.dev20260713+nightly
codegen_flags: <defaults>
</compile_context>

<pallas_src>
import functools

import jax
import jax.numpy as jnp
from jax import lax
from jax.experimental import pallas as pl
from jax.experimental.pallas import tpu as pltpu
from jax.experimental.pallas import tpu_sc as plsc

_EMB = 128
_NFV = _EMB // 16
_NBUF = 8

_GATHER_DNUMS = lax.GatherDimensionNumbers(
    offset_dims=(), collapsed_slice_dims=(0,), start_index_map=(0,))


def _lane_shuffle(x, idx):
    return lax.gather(x, idx[:, None], _GATHER_DNUMS, slice_sizes=(1,),
                      mode=lax.GatherScatterMode.PROMISE_IN_BOUNDS)


def _lane_sum(x, lanes):
    for sh in (8, 4, 2, 1):
        x = x + _lane_shuffle(x, jnp.bitwise_xor(lanes, sh))
    return x


def _sc_body(rows_per, C, h_hbm, t_hbm, r_hbm, ent_hbm, relnorm_hbm,
             out_hbm, h_idx, t_idx, r_idx, h_rows, t_rows, rn_rows,
             out_v, sem):
    nc = 2
    sid = lax.axis_index("s")
    wid = sid * nc + lax.axis_index("c")
    lanes = lax.iota(jnp.int32, 16)
    nchunks = rows_per // C
    wbase = wid * rows_per

    idx_cps = (
        pltpu.make_async_copy(h_hbm.at[pl.ds(wbase, rows_per)], h_idx,
                              sem.at[_NBUF]),
        pltpu.make_async_copy(t_hbm.at[pl.ds(wbase, rows_per)], t_idx,
                              sem.at[_NBUF]),
        pltpu.make_async_copy(r_hbm.at[pl.ds(wbase, rows_per)], r_idx,
                              sem.at[_NBUF]),
    )
    for cp in idx_cps:
        cp.start()
    for cp in idx_cps:
        cp.wait()

    def copies(c, b):
        off = c * C
        return (
            pltpu.make_async_copy(ent_hbm.at[h_idx.at[pl.ds(off, C)]],
                                  h_rows.at[b], sem.at[b]),
            pltpu.make_async_copy(ent_hbm.at[t_idx.at[pl.ds(off, C)]],
                                  t_rows.at[b], sem.at[b]),
            pltpu.make_async_copy(relnorm_hbm.at[r_idx.at[pl.ds(off, C)]],
                                  rn_rows.at[b], sem.at[b]),
        )

    def fire(c, b):
        for cp in copies(c, b):
            cp.start()

    def drain(c, b):
        for cp in copies(c, b):
            cp.wait()

    def compute(c, b):
        def score_row(i):
            def load2(ref, col16):
                w = ref[b, i, pl.ds(col16 * 16, 16)]
                lo = lax.bitcast_convert_type(
                    lax.shift_left(w, 16), jnp.float32)
                hi = lax.bitcast_convert_type(
                    jnp.bitwise_and(w, jnp.int32(-65536)), jnp.float32)
                return lo, hi

            dk = []
            nk = []
            accd = jnp.zeros((16,), jnp.float32)
            for k in range(_NFV // 2):
                n2 = load2(rn_rows, _NFV // 2 + k)
                for u in range(2):
                    kk = 2 * k + u
                    hv = h_rows[b, i, pl.ds(kk * 16, 16)]
                    tv = t_rows[b, i, pl.ds(kk * 16, 16)]
                    d = hv - tv
                    dk.append(d)
                    nk.append(n2[u])
                    accd = accd + d * n2[u]
            s = _lane_sum(accd, lanes)
            acc2 = jnp.zeros((16,), jnp.float32)
            for k in range(_NFV // 2):
                r2 = load2(rn_rows, k)
                for u in range(2):
                    e = dk[2 * k + u] + r2[u] - s * nk[2 * k + u]
                    acc2 = acc2 + jnp.abs(e)
            return _lane_sum(acc2, lanes)

        def group_body(g, _):
            def row_body(q, res):
                sc0 = score_row(g * 16 + q)
                return jnp.where(lanes == q, sc0, res)

            res = lax.fori_loop(0, 16, row_body,
                                jnp.zeros((16,), jnp.float32))
            out_v[pl.ds(c * C + g * 16, 16)] = res
            return 0

        lax.fori_loop(0, C // 16, group_body, 0)

    for b0 in range(_NBUF - 1):
        fire(b0, b0)

    def ring_body(c):
        b = lax.rem(c, _NBUF)

        @pl.when(c + _NBUF - 1 < nchunks)
        def _():
            fire(c + _NBUF - 1, lax.rem(c + _NBUF - 1, _NBUF))

        drain(c, b)
        compute(c, b)

    pl.loop(0, nchunks)(ring_body)
    pltpu.sync_copy(out_v, out_hbm.at[pl.ds(wbase, rows_per)])


def kernel(h, t, r, ent_emb, rel_emb, norm_emb):
    batch = h.shape[0]
    nw = 32
    rows_per = batch // nw
    C = 16
    def to_i32pairs(x):
        n = x.shape[0]
        xb = x.astype(jnp.bfloat16).reshape(n, x.shape[1] // 32, 2, 16)
        xb = jnp.transpose(xb, (0, 1, 3, 2))
        return lax.bitcast_convert_type(xb, jnp.int32).reshape(n, -1)

    relnorm = jnp.concatenate(
        [to_i32pairs(rel_emb), to_i32pairs(norm_emb)], axis=1)
    mesh = plsc.VectorSubcoreMesh(core_axis_name="c", subcore_axis_name="s")
    run = pl.kernel(
        functools.partial(_sc_body, rows_per, C),
        out_type=jax.ShapeDtypeStruct((batch,), jnp.float32),
        mesh=mesh,
        scratch_types=[
            pltpu.VMEM((rows_per,), jnp.int32),
            pltpu.VMEM((rows_per,), jnp.int32),
            pltpu.VMEM((rows_per,), jnp.int32),
            pltpu.VMEM((_NBUF, C, _EMB), jnp.float32),
            pltpu.VMEM((_NBUF, C, _EMB), jnp.float32),
            pltpu.VMEM((_NBUF, C, _EMB), jnp.int32),
            pltpu.VMEM((rows_per,), jnp.float32),
            pltpu.SemaphoreType.DMA((_NBUF + 1,)),
        ],
    )
    return run(h, t, r, ent_emb, relnorm)

# --- scband reference (transcript-rebuilt; emitter-appended) ---
"""Pipeline reference for scband-trans-hmodel-75720273429287 (READ-ONLY COPY).

The authoritative reference and input builder live on the scoring server;
editing this copy changes nothing except your own understanding.
"""

import jax, jax.numpy as jnp
import numpy as np

ENT_TOTAL = 100000
REL_TOTAL = 1000
EMB = 128
BATCH = 16384

def _normed_table(key, n, d):
    w = jax.random.uniform(key, (n, d), dtype=jnp.float32, minval=-1.0, maxval=1.0)
    # xavier_uniform bound
    bound = float(np.sqrt(6.0 / (n + d)))
    w = w * bound
    # row-wise L2 normalize (as done in __init__)
    norm = jnp.sqrt(jnp.sum(w * w, axis=1, keepdims=True))
    return w / jnp.maximum(norm, 1e-12)

def setup_inputs(seed: int = 0) -> dict:
    key = jax.random.key(seed)
    k1, k2, k3, k4, k5, k6 = jax.random.split(key, 6)
    h = jax.random.randint(k1, (BATCH,), 0, ENT_TOTAL, dtype=jnp.int64 if jax.config.jax_enable_x64 else jnp.int32).astype(jnp.int32)
    t = jax.random.randint(k2, (BATCH,), 0, ENT_TOTAL).astype(jnp.int32)
    r = jax.random.randint(k3, (BATCH,), 0, REL_TOTAL).astype(jnp.int32)
    ent_emb = _normed_table(k4, ENT_TOTAL, EMB)
    rel_emb = _normed_table(k5, REL_TOTAL, EMB)
    norm_emb = _normed_table(k6, REL_TOTAL, EMB)
    return {"h": h, "t": t, "r": r, "ent_emb": ent_emb, "rel_emb": rel_emb, "norm_emb": norm_emb}

def _projection_transH(original, norm):
    # original - sum(original * norm, dim=1, keepdim=True) * norm
    return original - jnp.sum(original * norm, axis=1, keepdims=True) * norm

def reference(h, t, r, ent_emb, rel_emb, norm_emb):
    h_e = jnp.take(ent_emb, h, axis=0)
    t_e = jnp.take(ent_emb, t, axis=0)
    r_e = jnp.take(rel_emb, r, axis=0)
    norm_e = jnp.take(norm_emb, r, axis=0)
    proj_h_e = _projection_transH(h_e, norm_e)
    proj_t_e = _projection_transH(t_e, norm_e)
    # L1_flag = True
    score = jnp.sum(jnp.abs(proj_h_e + r_e - proj_t_e), axis=1)
    return score

if __name__ == "__main__":
    import jax
    _d = setup_inputs()
    print(jax.jit(kernel)(*tuple(_d.values())))

</pallas_src>

<mosaic_0001>
#map = affine_map<(d0, d1) -> (0)>
#map1 = affine_map<(d0, d1) -> (0, 0)>
module attributes {stable_mosaic.version = 14 : i64} {
  func.func @_sc_body(%arg0: i32, %arg1: i32, %arg2: memref<16384xi32, #tpu.memory_space<hbm>>, %arg3: memref<16384xi32, #tpu.memory_space<hbm>>, %arg4: memref<16384xi32, #tpu.memory_space<hbm>>, %arg5: memref<100000x128xf32, #tpu.memory_space<hbm>>, %arg6: memref<1000x128xi32, #tpu.memory_space<hbm>>, %arg7: memref<16384xf32, #tpu.memory_space<hbm>>, %arg8: memref<512xi32, #tpu.memory_space<vmem>>, %arg9: memref<512xi32, #tpu.memory_space<vmem>>, %arg10: memref<512xi32, #tpu.memory_space<vmem>>, %arg11: memref<8x16x128xf32, #tpu.memory_space<vmem>>, %arg12: memref<8x16x128xf32, #tpu.memory_space<vmem>>, %arg13: memref<8x16x128xi32, #tpu.memory_space<vmem>>, %arg14: memref<512xf32, #tpu.memory_space<vmem>>, %arg15: memref<9x!tpu.dma_semaphore, #tpu.memory_space<semaphore_mem>>) attributes {dimension_semantics = [#tpu.dimension_semantics<core_parallel>, #tpu.dimension_semantics<subcore_parallel>], iteration_bounds = array<i64: 2, 16>, scalar_prefetch = 0 : i64, scratch_operands = 8 : i64, tpu.core_type = #tpu.core_type<sc_vector_subcore>, window_params = [{transform_indices = #map}, {transform_indices = #map}, {transform_indices = #map}, {transform_indices = #map1}, {transform_indices = #map1}, {transform_indices = #map}]} {
    %mul3A = arith.constant 2 : i32
    %mul3A_0 = arith.muli %arg1, %mul3A : i32
    %add3A = arith.addi %mul3A_0, %arg0 : i32
    %iota3A = tpu.iota {dimensions = array<i32: 0>} : vector<16xi32>
    %mul3A_1 = arith.constant 512 : i32
    %mul3A_2 = arith.muli %add3A, %mul3A_1 : i32
    %dma_start3A = arith.constant 8 : i32
    %dma_start3A_3 = tpu.memref_slice %arg2[%mul3A_2] : memref<16384xi32, #tpu.memory_space<hbm>> -> memref<512xi32, #tpu.memory_space<hbm>>
    %dma_start3A_4 = tpu.memref_slice %arg15[%dma_start3A] : memref<9x!tpu.dma_semaphore, #tpu.memory_space<semaphore_mem>> -> memref<1x!tpu.dma_semaphore, #tpu.memory_space<semaphore_mem>>
    %dma_start3A_5 = tpu.memref_squeeze %dma_start3A_4 : memref<1x!tpu.dma_semaphore, #tpu.memory_space<semaphore_mem>> -> memref<!tpu.dma_semaphore, #tpu.memory_space<semaphore_mem>>
    %dma_start3A_6 = tpu.memref_slice %arg2[%mul3A_2] : memref<16384xi32, #tpu.memory_space<hbm>> -> memref<512xi32, #tpu.memory_space<hbm>>
    tpu.enqueue_dma source(%dma_start3A_6 : memref<512xi32, #tpu.memory_space<hbm>>) target(%arg8 : memref<512xi32, #tpu.memory_space<vmem>>) target_semaphore(%dma_start3A_5 : memref<!tpu.dma_semaphore, #tpu.memory_space<semaphore_mem>>)
    %dma_start3A_7 = arith.constant 8 : i32
    %dma_start3A_8 = tpu.memref_slice %arg3[%mul3A_2] : memref<16384xi32, #tpu.memory_space<hbm>> -> memref<512xi32, #tpu.memory_space<hbm>>
    %dma_start3A_9 = tpu.memref_slice %arg15[%dma_start3A_7] : memref<9x!tpu.dma_semaphore, #tpu.memory_space<semaphore_mem>> -> memref<1x!tpu.dma_semaphore, #tpu.memory_space<semaphore_mem>>
    %dma_start3A_10 = tpu.memref_squeeze %dma_start3A_9 : memref<1x!tpu.dma_semaphore, #tpu.memory_space<semaphore_mem>> -> memref<!tpu.dma_semaphore, #tpu.memory_space<semaphore_mem>>
    %dma_start3A_11 = tpu.memref_slice %arg3[%mul3A_2] : memref<16384xi32, #tpu.memory_space<hbm>> -> memref<512xi32, #tpu.memory_space<hbm>>
    tpu.enqueue_dma source(%dma_start3A_11 : memref<512xi32, #tpu.memory_space<hbm>>) target(%arg9 : memref<512xi32, #tpu.memory_space<vmem>>) target_semaphore(%dma_start3A_10 : memref<!tpu.dma_semaphore, #tpu.memory_space<semaphore_mem>>)
    %dma_start3A_12 = arith.constant 8 : i32
    %dma_start3A_13 = tpu.memref_slice %arg4[%mul3A_2] : memref<16384xi32, #tpu.memory_space<hbm>> -> memref<512xi32, #tpu.memory_space<hbm>>
    %dma_start3A_14 = tpu.memref_slice %arg15[%dma_start3A_12] : memref<9x!tpu.dma_semaphore, #tpu.memory_space<semaphore_mem>> -> memref<1x!tpu.dma_semaphore, #tpu.memory_space<semaphore_mem>>
    %dma_start3A_15 = tpu.memref_squeeze %dma_start3A_14 : memref<1x!tpu.dma_semaphore, #tpu.memory_space<semaphore_mem>> -> memref<!tpu.dma_semaphore, #tpu.memory_space<semaphore_mem>>
    %dma_start3A_16 = tpu.memref_slice %arg4[%mul3A_2] : memref<16384xi32, #tpu.memory_space<hbm>> -> memref<512xi32, #tpu.memory_space<hbm>>
    tpu.enqueue_dma source(%dma_start3A_16 : memref<512xi32, #tpu.memory_space<hbm>>) target(%arg10 : memref<512xi32, #tpu.memory_space<vmem>>) target_semaphore(%dma_start3A_15 : memref<!tpu.dma_semaphore, #tpu.memory_space<semaphore_mem>>)
    %dma_wait3A = arith.constant 8 : i32
    %dma_wait3A_17 = tpu.memref_slice %arg2[%mul3A_2] : memref<16384xi32, #tpu.memory_space<hbm>> -> memref<512xi32, #tpu.memory_space<hbm>>
    %dma_wait3A_18 = tpu.memref_slice %arg15[%dma_wait3A] : memref<9x!tpu.dma_semaphore, #tpu.memory_space<semaphore_mem>> -> memref<1x!tpu.dma_semaphore, #tpu.memory_space<semaphore_mem>>
    %dma_wait3A_19 = tpu.memref_squeeze %dma_wait3A_18 : memref<1x!tpu.dma_semaphore, #tpu.memory_space<semaphore_mem>> -> memref<!tpu.dma_semaphore, #tpu.memory_space<semaphore_mem>>
    %dma_wait3A_20 = tpu.memref_slice %arg2[%mul3A_2] : memref<16384xi32, #tpu.memory_space<hbm>> -> memref<512xi32, #tpu.memory_space<hbm>>
    tpu.wait_dma2 semaphore(%dma_wait3A_19 : memref<!tpu.dma_semaphore, #tpu.memory_space<semaphore_mem>>) src(%dma_wait3A_20 : memref<512xi32, #tpu.memory_space<hbm>>) dst(%arg8 : memref<512xi32, #tpu.memory_space<vmem>>)
    %dma_wait3A_21 = arith.constant 8 : i32
    %dma_wait3A_22 = tpu.memref_slice %arg3[%mul3A_2] : memref<16384xi32, #tpu.memory_space<hbm>> -> memref<512xi32, #tpu.memory_space<hbm>>
    %dma_wait3A_23 = tpu.memref_slice %arg15[%dma_wait3A_21] : memref<9x!tpu.dma_semaphore, #tpu.memory_space<semaphore_mem>> -> memref<1x!tpu.dma_semaphore, #tpu.memory_space<semaphore_mem>>
    %dma_wait3A_24 = tpu.memref_squeeze %dma_wait3A_23 : memref<1x!tpu.dma_semaphore, #tpu.memory_space<semaphore_mem>> -> memref<!tpu.dma_semaphore, #tpu.memory_space<semaphore_mem>>
    %dma_wait3A_25 = tpu.memref_slice %arg3[%mul3A_2] : memref<16384xi32, #tpu.memory_space<hbm>> -> memref<512xi32, #tpu.memory_space<hbm>>
    tpu.wait_dma2 semaphore(%dma_wait3A_24 : memref<!tpu.dma_semaphore, #tpu.memory_space<semaphore_mem>>) src(%dma_wait3A_25 : memref<512xi32, #tpu.memory_space<hbm>>) dst(%arg9 : memref<512xi32, #tpu.memory_space<vmem>>)
    %dma_wait3A_26 = arith.constant 8 : i32
    %dma_wait3A_27 = tpu.memref_slice %arg4[%mul3A_2] : memref<16384xi32, #tpu.memory_space<hbm>> -> memref<512xi32, #tpu.memory_space<hbm>>
    %dma_wait3A_28 = tpu.memref_slice %arg15[%dma_wait3A_26] : memref<9x!tpu.dma_semaphore, #tpu.memory_space<semaphore_mem>> -> memref<1x!tpu.dma_semaphore, #tpu.memory_space<semaphore_mem>>
    %dma_wait3A_29 = tpu.memref_squeeze %dma_wait3A_28 : memref<1x!tpu.dma_semaphore, #tpu.memory_space<semaphore_mem>> -> memref<!tpu.dma_semaphore, #tpu.memory_space<semaphore_mem>>
    %dma_wait3A_30 = tpu.memref_slice %arg4[%mul3A_2] : memref<16384xi32, #tpu.memory_space<hbm>> -> memref<512xi32, #tpu.memory_space<hbm>>
    tpu.wait_dma2 semaphore(%dma_wait3A_29 : memref<!tpu.dma_semaphore, #tpu.memory_space<semaphore_mem>>) src(%dma_wait3A_30 : memref<512xi32, #tpu.memory_space<hbm>>) dst(%arg10 : memref<512xi32, #tpu.memory_space<vmem>>)
    %dma_start3A_31 = arith.constant 0 : i32
    %dma_start3A_32 = arith.constant 0 : i32
    %dma_start3A_33 = arith.constant 0 : i32
    %dma_start3A_34 = arith.constant 0 : i32
    %dma_start3A_35 = tpu.memref_slice %arg11[%dma_start3A_31, %dma_start3A_33, %dma_start3A_34] : memref<8x16x128xf32, #tpu.memory_space<vmem>> -> memref<1x16x128xf32, #tpu.memory_space<vmem>>
    %dma_start3A_36 = tpu.memref_squeeze %dma_start3A_35 : memref<1x16x128xf32, #tpu.memory_space<vmem>> -> memref<16x128xf32, #tpu.memory_space<vmem>>
    %dma_start3A_37 = arith.constant 0 : i32
    %dma_start3A_38 = tpu.memref_slice %arg8[%dma_start3A_37] : memref<512xi32, #tpu.memory_space<vmem>> -> memref<16xi32, #tpu.memory_space<vmem>>
    %dma_start3A_39 = arith.constant 0 : i32
    %dma_start3A_40 = arith.constant 0 : i32
    %dma_start3A_41 = tpu.memref_slice %arg5[%dma_start3A_39, %dma_start3A_40] : memref<100000x128xf32, #tpu.memory_space<hbm>> -> memref<100000x128xf32, #tpu.memory_space<hbm>>
    %dma_start3A_42 = tpu.memref_slice %arg15[%dma_start3A_32] : memref<9x!tpu.dma_semaphore, #tpu.memory_space<semaphore_mem>> -> memref<1x!tpu.dma_semaphore, #tpu.memory_space<semaphore_mem>>
    %dma_start3A_43 = tpu.memref_squeeze %dma_start3A_42 : memref<1x!tpu.dma_semaphore, #tpu.memory_space<semaphore_mem>> -> memref<!tpu.dma_semaphore, #tpu.memory_space<semaphore_mem>>
    tpu.enqueue_indirect_dma source(%dma_start3A_41 : memref<100000x128xf32, #tpu.memory_space<hbm>>) target(%dma_start3A_36 : memref<16x128xf32, #tpu.memory_space<vmem>>) offsets(%dma_start3A_38 : memref<16xi32, #tpu.memory_space<vmem>>) semaphore(%dma_start3A_43 : memref<!tpu.dma_semaphore, #tpu.memory_space<semaphore_mem>>)
    %dma_start3A_44 = arith.constant 0 : i32
    %dma_start3A_45 = arith.constant 0 : i32
    %dma_start3A_46 = arith.constant 0 : i32
    %dma_start3A_47 = arith.constant 0 : i32
    %dma_start3A_48 = tpu.memref_slice %arg12[%dma_start3A_44, %dma_start3A_46, %dma_start3A_47] : memref<8x16x128xf32, #tpu.memory_space<vmem>> -> memref<1x16x128xf32, #tpu.memory_space<vmem>>
    %dma_start3A_49 = tpu.memref_squeeze %dma_start3A_48 : memref<1x16x128xf32, #tpu.memory_space<vmem>> -> memref<16x128xf32, #tpu.memory_space<vmem>>
    %dma_start3A_50 = arith.constant 0 : i32
    %dma_start3A_51 = tpu.memref_slice %arg9[%dma_start3A_50] : memref<512xi32, #tpu.memory_space<vmem>> -> memref<16xi32, #tpu.memory_space<vmem>>
    %dma_start3A_52 = arith.constant 0 : i32
    %dma_start3A_53 = arith.constant 0 : i32
    %dma_start3A_54 = tpu.memref_slice %arg5[%dma_start3A_52, %dma_start3A_53] : memref<100000x128xf32, #tpu.memory_space<hbm>> -> memref<100000x128xf32, #tpu.memory_space<hbm>>
    %dma_start3A_55 = tpu.memref_slice %arg15[%dma_start3A_45] : memref<9x!tpu.dma_semaphore, #tpu.memory_space<semaphore_mem>> -> memref<1x!tpu.dma_semaphore, #tpu.memory_space<semaphore_mem>>
    %dma_start3A_56 = tpu.memref_squeeze %dma_start3A_55 : memref<1x!tpu.dma_semaphore, #tpu.memory_space<semaphore_mem>> -> memref<!tpu.dma_semaphore, #tpu.memory_space<semaphore_mem>>
    tpu.enqueue_indirect_dma source(%dma_start3A_54 : memref<100000x128xf32, #tpu.memory_space<hbm>>) target(%dma_start3A_49 : memref<16x128xf32, #tpu.memory_space<vmem>>) offsets(%dma_start3A_51 : memref<16xi32, #tpu.memory_space<vmem>>) semaphore(%dma_start3A_56 : memref<!tpu.dma_semaphore, #tpu.memory_space<semaphore_mem>>)
    %dma_start3A_57 = arith.constant 0 : i32
    %dma_start3A_58 = arith.constant 0 : i32
    %dma_start3A_59 = arith.constant 0 : i32
    %dma_start3A_60 = arith.constant 0 : i32
    %dma_start3A_61 = tpu.memref_slice %arg13[%dma_start3A_57, %dma_start3A_59, %dma_start3A_60] : memref<8x16x128xi32, #tpu.memory_space<vmem>> -> memref<1x16x128xi32, #tpu.memory_space<vmem>>
    %dma_start3A_62 = tpu.memref_squeeze %dma_start3A_61 : memref<1x16x128xi32, #tpu.memory_space<vmem>> -> memref<16x128xi32, #tpu.memory_space<vmem>>
    %dma_start3A_63 = arith.constant 0 : i32
    %dma_start3A_64 = tpu.memref_slice %arg10[%dma_start3A_63] : memref<512xi32, #tpu.memory_space<vmem>> -> memref<16xi32, #tpu.memory_space<vmem>>
    %dma_start3A_65 = arith.constant 0 : i32
    %dma_start3A_66 = arith.constant 0 : i32
    %dma_start3A_67 = tpu.memref_slice %arg6[%dma_start3A_65, %dma_start3A_66] : memref<1000x128xi32, #tpu.memory_space<hbm>> -> memref<1000x128xi32, #tpu.memory_space<hbm>>
    %dma_start3A_68 = tpu.memref_slice %arg15[%dma_start3A_58] : memref<9x!tpu.dma_semaphore, #tpu.memory_space<semaphore_mem>> -> memref<1x!tpu.dma_semaphore, #tpu.memory_space<semaphore_mem>>
    %dma_start3A_69 = tpu.memref_squeeze %dma_start3A_68 : memref<1x!tpu.dma_semaphore, #tpu.memory_space<semaphore_mem>> -> memref<!tpu.dma_semaphore, #tpu.memory_space<semaphore_mem>>
    tpu.enqueue_indirect_dma source(%dma_start3A_67 : memref<1000x128xi32, #tpu.memory_space<hbm>>) target(%dma_start3A_62 : memref<16x128xi32, #tpu.memory_space<vmem>>) offsets(%dma_start3A_64 : memref<16xi32, #tpu.memory_space<vmem>>) semaphore(%dma_start3A_69 : memref<!tpu.dma_semaphore, #tpu.memory_space<semaphore_mem>>)
    %dma_start3A_70 = arith.constant 1 : i32
    %dma_start3A_71 = arith.constant 1 : i32
    %dma_start3A_72 = arith.constant 0 : i32
    %dma_start3A_73 = arith.constant 0 : i32
    %dma_start3A_74 = tpu.memref_slice %arg11[%dma_start3A_70, %dma_start3A_72, %dma_start3A_73] : memref<8x16x128xf32, #tpu.memory_space<vmem>> -> memref<1x16x128xf32, #tpu.memory_space<vmem>>
    %dma_start3A_75 = tpu.memref_squeeze %dma_start3A_74 : memref<1x16x128xf32, #tpu.memory_space<vmem>> -> memref<16x128xf32, #tpu.memory_space<vmem>>
    %dma_start3A_76 = arith.constant 16 : i32
    %dma_start3A_77 = tpu.memref_slice %arg8[%dma_start3A_76] : memref<512xi32, #tpu.memory_space<vmem>> -> memref<16xi32, #tpu.memory_space<vmem>>
    %dma_start3A_78 = arith.constant 0 : i32
    %dma_start3A_79 = arith.constant 0 : i32
    %dma_start3A_80 = tpu.memref_slice %arg5[%dma_start3A_78, %dma_start3A_79] : memref<100000x128xf32, #tpu.memory_space<hbm>> -> memref<100000x128xf32, #tpu.memory_space<hbm>>
    %dma_start3A_81 = tpu.memref_slice %arg15[%dma_start3A_71] : memref<9x!tpu.dma_semaphore, #tpu.memory_space<semaphore_mem>> -> memref<1x!tpu.dma_semaphore, #tpu.memory_space<semaphore_mem>>
    %dma_start3A_82 = tpu.memref_squeeze %dma_start3A_81 : memref<1x!tpu.dma_semaphore, #tpu.memory_space<semaphore_mem>> -> memref<!tpu.dma_semaphore, #tpu.memory_space<semaphore_mem>>
    tpu.enqueue_indirect_dma source(%dma_start3A_80 : memref<100000x128xf32, #tpu.memory_space<hbm>>) target(%dma_start3A_75 : memref<16x128xf32, #tpu.memory_space<vmem>>) offsets(%dma_start3A_77 : memref<16xi32, #tpu.memory_space<vmem>>) semaphore(%dma_start3A_82 : memref<!tpu.dma_semaphore, #tpu.memory_space<semaphore_mem>>)
    %dma_start3A_83 = arith.constant 1 : i32
    %dma_start3A_84 = arith.constant 1 : i32
    %dma_start3A_85 = arith.constant 0 : i32
    %dma_start3A_86 = arith.constant 0 : i32
    %dma_start3A_87 = tpu.memref_slice %arg12[%dma_start3A_83, %dma_start3A_85, %dma_start3A_86] : memref<8x16x128xf32, #tpu.memory_space<vmem>> -> memref<1x16x128xf32, #tpu.memory_space<vmem>>
    %dma_start3A_88 = tpu.memref_squeeze %dma_start3A_87 : memref<1x16x128xf32, #tpu.memory_space<vmem>> -> memref<16x128xf32, #tpu.memory_space<vmem>>
    %dma_start3A_89 = arith.constant 16 : i32
    %dma_start3A_90 = tpu.memref_slice %arg9[%dma_start3A_89] : memref<512xi32, #tpu.memory_space<vmem>> -> memref<16xi32, #tpu.memory_space<vmem>>
    %dma_start3A_91 = arith.constant 0 : i32
    %dma_start3A_92 = arith.constant 0 : i32
    %dma_start3A_93 = tpu.memref_slice %arg5[%dma_start3A_91, %dma_start3A_92] : memref<100000x128xf32, #tpu.memory_space<hbm>> -> memref<100000x128xf32, #tpu.memory_space<hbm>>
    %dma_start3A_94 = tpu.memref_slice %arg15[%dma_start3A_84] : memref<9x!tpu.dma_semaphore, #tpu.memory_space<semaphore_mem>> -> memref<1x!tpu.dma_semaphore, #tpu.memory_space<semaphore_mem>>
    %dma_start3A_95 = tpu.memref_squeeze %dma_start3A_94 : memref<1x!tpu.dma_semaphore, #tpu.memory_space<semaphore_mem>> -> memref<!tpu.dma_semaphore, #tpu.memory_space<semaphore_mem>>
    tpu.enqueue_indirect_dma source(%dma_start3A_93 : memref<100000x128xf32, #tpu.memory_space<hbm>>) target(%dma_start3A_88 : memref<16x128xf32, #tpu.memory_space<vmem>>) offsets(%dma_start3A_90 : memref<16xi32, #tpu.memory_space<vmem>>) semaphore(%dma_start3A_95 : memref<!tpu.dma_semaphore, #tpu.memory_space<semaphore_mem>>)
    %dma_start3A_96 = arith.constant 1 : i32
    %dma_start3A_97 = arith.constant 1 : i32
    %dma_start3A_98 = arith.constant 0 : i32
    %dma_start3A_99 = arith.constant 0 : i32
    %dma_start3A_100 = tpu.memref_slice %arg13[%dma_start3A_96, %dma_start3A_98, %dma_start3A_99] : memref<8x16x128xi32, #tpu.memory_space<vmem>> -> memref<1x16x128xi32, #tpu.memory_space<vmem>>
    %dma_start3A_101 = tpu.memref_squeeze %dma_start3A_100 : memref<1x16x128xi32, #tpu.memory_space<vmem>> -> memref<16x128xi32, #tpu.memory_space<vmem>>
    %dma_start3A_102 = arith.constant 16 : i32
    %dma_start3A_103 = tpu.memref_slice %arg10[%dma_start3A_102] : memref<512xi32, #tpu.memory_space<vmem>> -> memref<16xi32, #tpu.memory_space<vmem>>
    %dma_start3A_104 = arith.constant 0 : i32
    %dma_start3A_105 = arith.constant 0 : i32
    %dma_start3A_106 = tpu.memref_slice %arg6[%dma_start3A_104, %dma_start3A_105] : memref<1000x128xi32, #tpu.memory_space<hbm>> -> memref<1000x128xi32, #tpu.memory_space<hbm>>
    %dma_start3A_107 = tpu.memref_slice %arg15[%dma_start3A_97] : memref<9x!tpu.dma_semaphore, #tpu.memory_space<semaphore_mem>> -> memref<1x!tpu.dma_semaphore, #tpu.memory_space<semaphore_mem>>
    %dma_start3A_108 = tpu.memref_squeeze %dma_start3A_107 : memref<1x!tpu.dma_semaphore, #tpu.memory_space<semaphore_mem>> -> memref<!tpu.dma_semaphore, #tpu.memory_space<semaphore_mem>>
    tpu.enqueue_indirect_dma source(%dma_start3A_106 : memref<1000x128xi32, #tpu.memory_space<hbm>>) target(%dma_start3A_101 : memref<16x128xi32, #tpu.memory_space<vmem>>) offsets(%dma_start3A_103 : memref<16xi32, #tpu.memory_space<vmem>>) semaphore(%dma_start3A_108 : memref<!tpu.dma_semaphore, #tpu.memory_space<semaphore_mem>>)
    %dma_start3A_109 = arith.constant 2 : i32
    %dma_start3A_110 = arith.constant 2 : i32
    %dma_start3A_111 = arith.constant 0 : i32
    %dma_start3A_112 = arith.constant 0 : i32
    %dma_start3A_113 = tpu.memref_slice %arg11[%dma_start3A_109, %dma_start3A_111, %dma_start3A_112] : memref<8x16x128xf32, #tpu.memory_space<vmem>> -> memref<1x16x128xf32, #tpu.memory_space<vmem>>
    %dma_start3A_114 = tpu.memref_squeeze %dma_start3A_113 : memref<1x16x128xf32, #tpu.memory_space<vmem>> -> memref<16x128xf32, #tpu.memory_space<vmem>>
    %dma_start3A_115 = arith.constant 32 : i32
    %dma_start3A_116 = tpu.memref_slice %arg8[%dma_start3A_115] : memref<512xi32, #tpu.memory_space<vmem>> -> memref<16xi32, #tpu.memory_space<vmem>>
    %dma_start3A_117 = arith.constant 0 : i32
    %dma_start3A_118 = arith.constant 0 : i32
    %dma_start3A_119 = tpu.memref_slice %arg5[%dma_start3A_117, %dma_start3A_118] : memref<100000x128xf32, #tpu.memory_space<hbm>> -> memref<100000x128xf32, #tpu.memory_space<hbm>>
    %dma_start3A_120 = tpu.memref_slice %arg15[%dma_start3A_110] : memref<9x!tpu.dma_semaphore, #tpu.memory_space<semaphore_mem>> -> memref<1x!tpu.dma_semaphore, #tpu.memory_space<semaphore_mem>>
    %dma_start3A_121 = tpu.memref_squeeze %dma_start3A_120 : memref<1x!tpu.dma_semaphore, #tpu.memory_space<semaphore_mem>> -> memref<!tpu.dma_semaphore, #tpu.memory_space<semaphore_mem>>
    tpu.enqueue_indirect_dma source(%dma_start3A_119 : memref<100000x128xf32, #tpu.memory_space<hbm>>) target(%dma_start3A_114 : memref<16x128xf32, #tpu.memory_space<vmem>>) offsets(%dma_start3A_116 : memref<16xi32, #tpu.memory_space<vmem>>) semaphore(%dma_start3A_121 : memref<!tpu.dma_semaphore, #tpu.memory_space<semaphore_mem>>)
    %dma_start3A_122 = arith.constant 2 : i32
    %dma_start3A_123 = arith.constant 2 : i32
    %dma_start3A_124 = arith.constant 0 : i32
    %dma_start3A_125 = arith.constant 0 : i32
    %dma_start3A_126 = tpu.memref_slice %arg12[%dma_start3A_122, %dma_start3A_124, %dma_start3A_125] : memref<8x16x128xf32, #tpu.memory_space<vmem>> -> memref<1x16x128xf32, #tpu.memory_space<vmem>>
    %dma_start3A_127 = tpu.memref_squeeze %dma_start3A_126 : memref<1x16x128xf32, #tpu.memory_space<vmem>> -> memref<16x128xf32, #tpu.memory_space<vmem>>
    %dma_start3A_128 = arith.constant 32 : i32
    %dma_start3A_129 = tpu.memref_slice %arg9[%dma_start3A_128] : memref<512xi32, #tpu.memory_space<vmem>> -> memref<16xi32, #tpu.memory_space<vmem>>
    %dma_start3A_130 = arith.constant 0 : i32
    %dma_start3A_131 = arith.constant 0 : i32
    %dma_start3A_132 = tpu.memref_slice %arg5[%dma_start3A_130, %dma_start3A_131] : memref<100000x128xf32, #tpu.memory_space<hbm>> -> memref<100000x128xf32, #tpu.memory_space<hbm>>
    %dma_start3A_133 = tpu.memref_slice %arg15[%dma_start3A_123] : memref<9x!tpu.dma_semaphore, #tpu.memory_space<semaphore_mem>> -> memref<1x!tpu.dma_semaphore, #tpu.memory_space<semaphore_mem>>
    %dma_start3A_134 = tpu.memref_squeeze %dma_start3A_133 : memref<1x!tpu.dma_semaphore, #tpu.memory_space<semaphore_mem>> -> memref<!tpu.dma_semaphore, #tpu.memory_space<semaphore_mem>>
    tpu.enqueue_indirect_dma source(%dma_start3A_132 : memref<100000x128xf32, #tpu.memory_space<hbm>>) target(%dma_start3A_127 : memref<16x128xf32, #tpu.memory_space<vmem>>) offsets(%dma_start3A_129 : memref<16xi32, #tpu.memory_space<vmem>>) semaphore(%dma_start3A_134 : memref<!tpu.dma_semaphore, #tpu.memory_space<semaphore_mem>>)
    %dma_start3A_135 = arith.constant 2 : i32
    %dma_start3A_136 = arith.constant 2 : i32
    %dma_start3A_137 = arith.constant 0 : i32
    %dma_start3A_138 = arith.constant 0 : i32
    %dma_start3A_139 = tpu.memref_slice %arg13[%dma_start3A_135, %dma_start3A_137, %dma_start3A_138] : memref<8x16x128xi32, #tpu.memory_space<vmem>> -> memref<1x16x128xi32, #tpu.memory_space<vmem>>
    %dma_start3A_140 = tpu.memref_squeeze %dma_start3A_139 : memref<1x16x128xi32, #tpu.memory_space<vmem>> -> memref<16x128xi32, #tpu.memory_space<vmem>>
    %dma_start3A_141 = arith.constant 32 : i32
    %dma_start3A_142 = tpu.memref_slice %arg10[%dma_start3A_141] : memref<512xi32, #tpu.memory_space<vmem>> -> memref<16xi32, #tpu.memory_space<vmem>>
    %dma_start3A_143 = arith.constant 0 : i32
    %dma_start3A_144 = arith.constant 0 : i32
    %dma_start3A_145 = tpu.memref_slice %arg6[%dma_start3A_143, %dma_start3A_144] : memref<1000x128xi32, #tpu.memory_space<hbm>> -> memref<1000x128xi32, #tpu.memory_space<hbm>>
    %dma_start3A_146 = tpu.memref_slice %arg15[%dma_start3A_136] : memref<9x!tpu.dma_semaphore, #tpu.memory_space<semaphore_mem>> -> memref<1x!tpu.dma_semaphore, #tpu.memory_space<semaphore_mem>>
    %dma_start3A_147 = tpu.memref_squeeze %dma_start3A_146 : memref<1x!tpu.dma_semaphore, #tpu.memory_space<semaphore_mem>> -> memref<!tpu.dma_semaphore, #tpu.memory_space<semaphore_mem>>
    tpu.enqueue_indirect_dma source(%dma_start3A_145 : memref<1000x128xi32, #tpu.memory_space<hbm>>) target(%dma_start3A_140 : memref<16x128xi32, #tpu.memory_space<vmem>>) offsets(%dma_start3A_142 : memref<16xi32, #tpu.memory_space<vmem>>) semaphore(%dma_start3A_147 : memref<!tpu.dma_semaphore, #tpu.memory_space<semaphore_mem>>)
    %dma_start3A_148 = arith.constant 3 : i32
    %dma_start3A_149 = arith.constant 3 : i32
    %dma_start3A_150 = arith.constant 0 : i32
    %dma_start3A_151 = arith.constant 0 : i32
    %dma_start3A_152 = tpu.memref_slice %arg11[%dma_start3A_148, %dma_start3A_150, %dma_start3A_151] : memref<8x16x128xf32, #tpu.memory_space<vmem>> -> memref<1x16x128xf32, #tpu.memory_space<vmem>>
    %dma_start3A_153 = tpu.memref_squeeze %dma_start3A_152 : memref<1x16x128xf32, #tpu.memory_space<vmem>> -> memref<16x128xf32, #tpu.memory_space<vmem>>
    %dma_start3A_154 = arith.constant 48 : i32
    %dma_start3A_155 = tpu.memref_slice %arg8[%dma_start3A_154] : memref<512xi32, #tpu.memory_space<vmem>> -> memref<16xi32, #tpu.memory_space<vmem>>
    %dma_start3A_156 = arith.constant 0 : i32
    %dma_start3A_157 = arith.constant 0 : i32
    %dma_start3A_158 = tpu.memref_slice %arg5[%dma_start3A_156, %dma_start3A_157] : memref<100000x128xf32, #tpu.memory_space<hbm>> -> memref<100000x128xf32, #tpu.memory_space<hbm>>
    %dma_start3A_159 = tpu.memref_slice %arg15[%dma_start3A_149] : memref<9x!tpu.dma_semaphore, #tpu.memory_space<semaphore_mem>> -> memref<1x!tpu.dma_semaphore, #tpu.memory_space<semaphore_mem>>
    %dma_start3A_160 = tpu.memref_squeeze %dma_start3A_159 : memref<1x!tpu.dma_semaphore, #tpu.memory_space<semaphore_mem>> -> memref<!tpu.dma_semaphore, #tpu.memory_space<semaphore_mem>>
    tpu.enqueue_indirect_dma source(%dma_start3A_158 : memref<100000x128xf32, #tpu.memory_space<hbm>>) target(%dma_start3A_153 : memref<16x128xf32, #tpu.memory_space<vmem>>) offsets(%dma_start3A_155 : memref<16xi32, #tpu.memory_space<vmem>>) semaphore(%dma_start3A_160 : memref<!tpu.dma_semaphore, #tpu.memory_space<semaphore_mem>>)
    %dma_start3A_161 = arith.constant 3 : i32
    %dma_start3A_162 = arith.constant 3 : i32
    %dma_start3A_163 = arith.constant 0 : i32
    %dma_start3A_164 = arith.constant 0 : i32
    %dma_start3A_165 = tpu.memref_slice %arg12[%dma_start3A_161, %dma_start3A_163, %dma_start3A_164] : memref<8x16x128xf32, #tpu.memory_space<vmem>> -> memref<1x16x128xf32, #tpu.memory_space<vmem>>
    %dma_start3A_166 = tpu.memref_squeeze %dma_start3A_165 : memref<1x16x128xf32, #tpu.memory_space<vmem>> -> memref<16x128xf32, #tpu.memory_space<vmem>>
    %dma_start3A_167 = arith.constant 48 : i32
    %dma_start3A_168 = tpu.memref_slice %arg9[%dma_start3A_167] : memref<512xi32, #tpu.memory_space<vmem>> -> memref<16xi32, #tpu.memory_space<vmem>>
    %dma_start3A_169 = arith.constant 0 : i32
    %dma_start3A_170 = arith.constant 0 : i32
    %dma_start3A_171 = tpu.memref_slice %arg5[%dma_start3A_169, %dma_start3A_170] : memref<100000x128xf32, #tpu.memory_space<hbm>> -> memref<100000x128xf32, #tpu.memory_space<hbm>>
    %dma_start3A_172 = tpu.memref_slice %arg15[%dma_start3A_162] : memref<9x!tpu.dma_semaphore, #tpu.memory_space<semaphore_mem>> -> memref<1x!tpu.dma_semaphore, #tpu.memory_space<semaphore_mem>>
    %dma_start3A_173 = tpu.memref_squeeze %dma_start3A_172 : memref<1x!tpu.dma_semaphore, #tpu.memory_space<semaphore_mem>> -> memref<!tpu.dma_semaphore, #tpu.memory_space<semaphore_mem>>
    tpu.enqueue_indirect_dma source(%dma_start3A_171 : memref<100000x128xf32, #tpu.memory_space<hbm>>) target(%dma_start3A_166 : memref<16x128xf32, #tpu.memory_space<vmem>>) offsets(%dma_start3A_168 : memref<16xi32, #tpu.memory_space<vmem>>) semaphore(%dma_start3A_173 : memref<!tpu.dma_semaphore, #tpu.memory_space<semaphore_mem>>)
    %dma_start3A_174 = arith.constant 3 : i32
    %dma_start3A_175 = arith.constant 3 : i32
    %dma_start3A_176 = arith.constant 0 : i32
    %dma_start3A_177 = arith.constant 0 : i32
    %dma_start3A_178 = tpu.memref_slice %arg13[%dma_start3A_174, %dma_start3A_176, %dma_start3A_177] : memref<8x16x128xi32, #tpu.memory_space<vmem>> -> memref<1x16x128xi32, #tpu.memory_space<vmem>>
    %dma_start3A_179 = tpu.memref_squeeze %dma_start3A_178 : memref<1x16x128xi32, #tpu.memory_space<vmem>> -> memref<16x128xi32, #tpu.memory_space<vmem>>
    %dma_start3A_180 = arith.constant 48 : i32
    %dma_start3A_181 = tpu.memref_slice %arg10[%dma_start3A_180] : memref<512xi32, #tpu.memory_space<vmem>> -> memref<16xi32, #tpu.memory_space<vmem>>
    %dma_start3A_182 = arith.constant 0 : i32
    %dma_start3A_183 = arith.constant 0 : i32
    %dma_start3A_184 = tpu.memref_slice %arg6[%dma_start3A_182, %dma_start3A_183] : memref<1000x128xi32, #tpu.memory_space<hbm>> -> memref<1000x128xi32, #tpu.memory_space<hbm>>
    %dma_start3A_185 = tpu.memref_slice %arg15[%dma_start3A_175] : memref<9x!tpu.dma_semaphore, #tpu.memory_space<semaphore_mem>> -> memref<1x!tpu.dma_semaphore, #tpu.memory_space<semaphore_mem>>
    %dma_start3A_186 = tpu.memref_squeeze %dma_start3A_185 : memref<1x!tpu.dma_semaphore, #tpu.memory_space<semaphore_mem>> -> memref<!tpu.dma_semaphore, #tpu.memory_space<semaphore_mem>>
    tpu.enqueue_indirect_dma source(%dma_start3A_184 : memref<1000x128xi32, #tpu.memory_space<hbm>>) target(%dma_start3A_179 : memref<16x128xi32, #tpu.memory_space<vmem>>) offsets(%dma_start3A_181 : memref<16xi32, #tpu.memory_space<vmem>>) semaphore(%dma_start3A_186 : memref<!tpu.dma_semaphore, #tpu.memory_space<semaphore_mem>>)
    %dma_start3A_187 = arith.constant 4 : i32
    %dma_start3A_188 = arith.constant 4 : i32
    %dma_start3A_189 = arith.constant 0 : i32
    %dma_start3A_190 = arith.constant 0 : i32
    %dma_start3A_191 = tpu.memref_slice %arg11[%dma_start3A_187, %dma_start3A_189, %dma_start3A_190] : memref<8x16x128xf32, #tpu.memory_space<vmem>> -> memref<1x16x128xf32, #tpu.memory_space<vmem>>
    %dma_start3A_192 = tpu.memref_squeeze %dma_start3A_191 : memref<1x16x128xf32, #tpu.memory_space<vmem>> -> memref<16x128xf32, #tpu.memory_space<vmem>>
    %dma_start3A_193 = arith.constant 64 : i32
    %dma_start3A_194 = tpu.memref_slice %arg8[%dma_start3A_193] : memref<512xi32, #tpu.memory_space<vmem>> -> memref<16xi32, #tpu.memory_space<vmem>>
    %dma_start3A_195 = arith.constant 0 : i32
    %dma_start3A_196 = arith.constant 0 : i32
    %dma_start3A_197 = tpu.memref_slice %arg5[%dma_start3A_195, %dma_start3A_196] : memref<100000x128xf32, #tpu.memory_space<hbm>> -> memref<100000x128xf32, #tpu.memory_space<hbm>>
    %dma_start3A_198 = tpu.memref_slice %arg15[%dma_start3A_188] : memref<9x!tpu.dma_semaphore, #tpu.memory_space<semaphore_mem>> -> memref<1x!tpu.dma_semaphore, #tpu.memory_space<semaphore_mem>>
    %dma_start3A_199 = tpu.memref_squeeze %dma_start3A_198 : memref<1x!tpu.dma_semaphore, #tpu.memory_space<semaphore_mem>> -> memref<!tpu.dma_semaphore, #tpu.memory_space<semaphore_mem>>
    tpu.enqueue_indirect_dma source(%dma_start3A_197 : memref<100000x128xf32, #tpu.memory_space<hbm>>) target(%dma_start3A_192 : memref<16x128xf32, #tpu.memory_space<vmem>>) offsets(%dma_start3A_194 : memref<16xi32, #tpu.memory_space<vmem>>) semaphore(%dma_start3A_199 : memref<!tpu.dma_semaphore, #tpu.memory_space<semaphore_mem>>)
    %dma_start3A_200 = arith.constant 4 : i32
    %dma_start3A_201 = arith.constant 4 : i32
    %dma_start3A_202 = arith.constant 0 : i32
    %dma_start3A_203 = arith.constant 0 : i32
    %dma_start3A_204 = tpu.memref_slice %arg12[%dma_start3A_200, %dma_start3A_202, %dma_start3A_203] : memref<8x16x128xf32, #tpu.memory_space<vmem>> -> memref<1x16x128xf32, #tpu.memory_space<vmem>>
    %dma_start3A_205 = tpu.memref_squeeze %dma_start3A_204 : memref<1x16x128xf32, #tpu.memory_space<vmem>> -> memref<16x128xf32, #tpu.memory_space<vmem>>
    %dma_start3A_206 = arith.constant 64 : i32
    %dma_start3A_207 = tpu.memref_slice %arg9[%dma_start3A_206] : memref<512xi32, #tpu.memory_space<vmem>> -> memref<16xi32, #tpu.memory_space<vmem>>
    %dma_start3A_208 = arith.constant 0 : i32
    %dma_start3A_209 = arith.constant 0 : i32
    %dma_start3A_210 = tpu.memref_slice %arg5[%dma_start3A_208, %dma_start3A_209] : memref<100000x128xf32, #tpu.memory_space<hbm>> -> memref<100000x128xf32, #tpu.memory_space<hbm>>
    %dma_start3A_211 = tpu.memref_slice %arg15[%dma_start3A_201] : memref<9x!tpu.dma_semaphore, #tpu.memory_space<semaphore_mem>> -> memref<1x!tpu.dma_semaphore, #tpu.memory_space<semaphore_mem>>
    %dma_start3A_212 = tpu.memref_squeeze %dma_start3A_211 : memref<1x!tpu.dma_semaphore, #tpu.memory_space<semaphore_mem>> -> memref<!tpu.dma_semaphore, #tpu.memory_space<semaphore_mem>>
    tpu.enqueue_indirect_dma source(%dma_start3A_210 : memref<100000x128xf32, #tpu.memory_space<hbm>>) target(%dma_start3A_205 : memref<16x128xf32, #tpu.memory_space<vmem>>) offsets(%dma_start3A_207 : memref<16xi32, #tpu.memory_space<vmem>>) semaphore(%dma_start3A_212 : memref<!tpu.dma_semaphore, #tpu.memory_space<semaphore_mem>>)
    %dma_start3A_213 = arith.constant 4 : i32
    %dma_start3A_214 = arith.constant 4 : i32
    %dma_start3A_215 = arith.constant 0 : i32
    %dma_start3A_216 = arith.constant 0 : i32
    %dma_start3A_217 = tpu.memref_slice %arg13[%dma_start3A_213, %dma_start3A_215, %dma_start3A_216] : memref<8x16x128xi32, #tpu.memory_space<vmem>> -> memref<1x16x128xi32, #tpu.memory_space<vmem>>
    %dma_start3A_218 = tpu.memref_squeeze %dma_start3A_217 : memref<1x16x128xi32, #tpu.memory_space<vmem>> -> memref<16x128xi32, #tpu.memory_space<vmem>>
    %dma_start3A_219 = arith.constant 64 : i32
    %dma_start3A_220 = tpu.memref_slice %arg10[%dma_start3A_219] : memref<512xi32, #tpu.memory_space<vmem>> -> memref<16xi32, #tpu.memory_space<vmem>>
    %dma_start3A_221 = arith.constant 0 : i32
    %dma_start3A_222 = arith.constant 0 : i32
    %dma_start3A_223 = tpu.memref_slice %arg6[%dma_start3A_221, %dma_start3A_222] : memref<1000x128xi32, #tpu.memory_space<hbm>> -> memref<1000x128xi32, #tpu.memory_space<hbm>>
    %dma_start3A_224 = tpu.memref_slice %arg15[%dma_start3A_214] : memref<9x!tpu.dma_semaphore, #tpu.memory_space<semaphore_mem>> -> memref<1x!tpu.dma_semaphore, #tpu.memory_space<semaphore_mem>>
    %dma_start3A_225 = tpu.memref_squeeze %dma_start3A_224 : memref<1x!tpu.dma_semaphore, #tpu.memory_space<semaphore_mem>> -> memref<!tpu.dma_semaphore, #tpu.memory_space<semaphore_mem>>
    tpu.enqueue_indirect_dma source(%dma_start3A_223 : memref<1000x128xi32, #tpu.memory_space<hbm>>) target(%dma_start3A_218 : memref<16x128xi32, #tpu.memory_space<vmem>>) offsets(%dma_start3A_220 : memref<16xi32, #tpu.memory_space<vmem>>) semaphore(%dma_start3A_225 : memref<!tpu.dma_semaphore, #tpu.memory_space<semaphore_mem>>)
    %dma_start3A_226 = arith.constant 5 : i32
    %dma_start3A_227 = arith.constant 5 : i32
    %dma_start3A_228 = arith.constant 0 : i32
    %dma_start3A_229 = arith.constant 0 : i32
    %dma_start3A_230 = tpu.memref_slice %arg11[%dma_start3A_226, %dma_start3A_228, %dma_start3A_229] : memref<8x16x128xf32, #tpu.memory_space<vmem>> -> memref<1x16x128xf32, #tpu.memory_space<vmem>>
    %dma_start3A_231 = tpu.memref_squeeze %dma_start3A_230 : memref<1x16x128xf32, #tpu.memory_space<vmem>> -> memref<16x128xf32, #tpu.memory_space<vmem>>
    %dma_start3A_232 = arith.constant 80 : i32
    %dma_start3A_233 = tpu.memref_slice %arg8[%dma_start3A_232] : memref<512xi32, #tpu.memory_space<vmem>> -> memref<16xi32, #tpu.memory_space<vmem>>
    %dma_start3A_234 = arith.constant 0 : i32
    %dma_start3A_235 = arith.constant 0 : i32
    %dma_start3A_236 = tpu.memref_slice %arg5[%dma_start3A_234, %dma_start3A_235] : memref<100000x128xf32, #tpu.memory_space<hbm>> -> memref<100000x128xf32, #tpu.memory_space<hbm>>
    %dma_start3A_237 = tpu.memref_slice %arg15[%dma_start3A_227] : memref<9x!tpu.dma_semaphore, #tpu.memory_space<semaphore_mem>> -> memref<1x!tpu.dma_semaphore, #tpu.memory_space<semaphore_mem>>
    %dma_start3A_238 = tpu.memref_squeeze %dma_start3A_237 : memref<1x!tpu.dma_semaphore, #tpu.memory_space<semaphore_mem>> -> memref<!tpu.dma_semaphore, #tpu.memory_space<semaphore_mem>>
    tpu.enqueue_indirect_dma source(%dma_start3A_236 : memref<100000x128xf32, #tpu.memory_space<hbm>>) target(%dma_start3A_231 : memref<16x128xf32, #tpu.memory_space<vmem>>) offsets(%dma_start3A_233 : memref<16xi32, #tpu.memory_space<vmem>>) semaphore(%dma_start3A_238 : memref<!tpu.dma_semaphore, #tpu.memory_space<semaphore_mem>>)
    %dma_start3A_239 = arith.constant 5 : i32
    %dma_start3A_240 = arith.constant 5 : i32
    %dma_start3A_241 = arith.constant 0 : i32
    %dma_start3A_242 = arith.constant 0 : i32
    %dma_start3A_243 = tpu.memref_slice %arg12[%dma_start3A_239, %dma_start3A_241, %dma_start3A_242] : memref<8x16x128xf32, #tpu.memory_space<vmem>> -> memref<1x16x128xf32, #tpu.memory_space<vmem>>
    %dma_start3A_244 = tpu.memref_squeeze %dma_start3A_243 : memref<1x16x128xf32, #tpu.memory_space<vmem>> -> memref<16x128xf32, #tpu.memory_space<vmem>>
    %dma_start3A_245 = arith.constant 80 : i32
    %dma_start3A_246 = tpu.memref_slice %arg9[%dma_start3A_245] : memref<512xi32, #tpu.memory_space<vmem>> -> memref<16xi32, #tpu.memory_space<vmem>>
    %dma_start3A_247 = arith.constant 0 : i32
    %dma_start3A_248 = arith.constant 0 : i32
    %dma_start3A_249 = tpu.memref_slice %arg5[%dma_start3A_247, %dma_start3A_248] : memref<100000x128xf32, #tpu.memory_space<hbm>> -> memref<100000x128xf32, #tpu.memory_space<hbm>>
    %dma_start3A_250 = tpu.memref_slice %arg15[%dma_start3A_240] : memref<9x!tpu.dma_semaphore, #tpu.memory_space<semaphore_mem>> -> memref<1x!tpu.dma_semaphore, #tpu.memory_space<semaphore_mem>>
    %dma_start3A_251 = tpu.memref_squeeze %dma_start3A_250 : memref<1x!tpu.dma_semaphore, #tpu.memory_space<semaphore_mem>> -> memref<!tpu.dma_semaphore, #tpu.memory_space<semaphore_mem>>
    tpu.enqueue_indirect_dma source(%dma_start3A_249 : memref<100000x128xf32, #tpu.memory_space<hbm>>) target(%dma_start3A_244 : memref<16x128xf32, #tpu.memory_space<vmem>>) offsets(%dma_start3A_246 : memref<16xi32, #tpu.memory_space<vmem>>) semaphore(%dma_start3A_251 : memref<!tpu.dma_semaphore, #tpu.memory_space<semaphore_mem>>)
    %dma_start3A_252 = arith.constant 5 : i32
    %dma_start3A_253 = arith.constant 5 : i32
    %dma_start3A_254 = arith.constant 0 : i32
    %dma_start3A_255 = arith.constant 0 : i32
    %dma_start3A_256 = tpu.memref_slice %arg13[%dma_start3A_252, %dma_start3A_254, %dma_start3A_255] : memref<8x16x128xi32, #tpu.memory_space<vmem>> -> memref<1x16x128xi32, #tpu.memory_space<vmem>>
    %dma_start3A_257 = tpu.memref_squeeze %dma_start3A_256 : memref<1x16x128xi32, #tpu.memory_space<vmem>> -> memref<16x128xi32, #tpu.memory_space<vmem>>
    %dma_start3A_258 = arith.constant 80 : i32
    %dma_start3A_259 = tpu.memref_slice %arg10[%dma_start3A_258] : memref<512xi32, #tpu.memory_space<vmem>> -> memref<16xi32, #tpu.memory_space<vmem>>
    %dma_start3A_260 = arith.constant 0 : i32
    %dma_start3A_261 = arith.constant 0 : i32
    %dma_start3A_262 = tpu.memref_slice %arg6[%dma_start3A_260, %dma_start3A_261] : memref<1000x128xi32, #tpu.memory_space<hbm>> -> memref<1000x128xi32, #tpu.memory_space<hbm>>
    %dma_start3A_263 = tpu.memref_slice %arg15[%dma_start3A_253] : memref<9x!tpu.dma_semaphore, #tpu.memory_space<semaphore_mem>> -> memref<1x!tpu.dma_semaphore, #tpu.memory_space<semaphore_mem>>
    %dma_start3A_264 = tpu.memref_squeeze %dma_start3A_263 : memref<1x!tpu.dma_semaphore, #tpu.memory_space<semaphore_mem>> -> memref<!tpu.dma_semaphore, #tpu.memory_space<semaphore_mem>>
    tpu.enqueue_indirect_dma source(%dma_start3A_262 : memref<1000x128xi32, #tpu.memory_space<hbm>>) target(%dma_start3A_257 : memref<16x128xi32, #tpu.memory_space<vmem>>) offsets(%dma_start3A_259 : memref<16xi32, #tpu.memory_space<vmem>>) semaphore(%dma_start3A_264 : memref<!tpu.dma_semaphore, #tpu.memory_space<semaphore_mem>>)
    %dma_start3A_265 = arith.constant 6 : i32
    %dma_start3A_266 = arith.constant 6 : i32
    %dma_start3A_267 = arith.constant 0 : i32
    %dma_start3A_268 = arith.constant 0 : i32
    %dma_start3A_269 = tpu.memref_slice %arg11[%dma_start3A_265, %dma_start3A_267, %dma_start3A_268] : memref<8x16x128xf32, #tpu.memory_space<vmem>> -> memref<1x16x128xf32, #tpu.memory_space<vmem>>
    %dma_start3A_270 = tpu.memref_squeeze %dma_start3A_269 : memref<1x16x128xf32, #tpu.memory_space<vmem>> -> memref<16x128xf32, #tpu.memory_space<vmem>>
    %dma_start3A_271 = arith.constant 96 : i32
    %dma_start3A_272 = tpu.memref_slice %arg8[%dma_start3A_271] : memref<512xi32, #tpu.memory_space<vmem>> -> memref<16xi32, #tpu.memory_space<vmem>>
    %dma_start3A_273 = arith.constant 0 : i32
    %dma_start3A_274 = arith.constant 0 : i32
    %dma_start3A_275 = tpu.memref_slice %arg5[%dma_start3A_273, %dma_start3A_274] : memref<100000x128xf32, #tpu.memory_space<hbm>> -> memref<100000x128xf32, #tpu.memory_space<hbm>>
    %dma_start3A_276 = tpu.memref_slice %arg15[%dma_start3A_266] : memref<9x!tpu.dma_semaphore, #tpu.memory_space<semaphore_mem>> -> memref<1x!tpu.dma_semaphore, #tpu.memory_space<semaphore_mem>>
    %dma_start3A_277 = tpu.memref_squeeze %dma_start3A_276 : memref<1x!tpu.dma_semaphore, #tpu.memory_space<semaphore_mem>> -> memref<!tpu.dma_semaphore, #tpu.memory_space<semaphore_mem>>
    tpu.enqueue_indirect_dma source(%dma_start3A_275 : memref<100000x128xf32, #tpu.memory_space<hbm>>) target(%dma_start3A_270 : memref<16x128xf32, #tpu.memory_space<vmem>>) offsets(%dma_start3A_272 : memref<16xi32, #tpu.memory_space<vmem>>) semaphore(%dma_start3A_277 : memref<!tpu.dma_semaphore, #tpu.memory_space<semaphore_mem>>)
    %dma_start3A_278 = arith.constant 6 : i32
    %dma_start3A_279 = arith.constant 6 : i32
    %dma_start3A_280 = arith.constant 0 : i32
    %dma_start3A_281 = arith.constant 0 : i32
    %dma_start3A_282 = tpu.memref_slice %arg12[%dma_start3A_278, %dma_start3A_280, %dma_start3A_281] : memref<8x16x128xf32, #tpu.memory_space<vmem>> -> memref<1x16x128xf32, #tpu.memory_space<vmem>>
    %dma_start3A_283 = tpu.memref_squeeze %dma_start3A_282 : memref<1x16x128xf32, #tpu.memory_space<vmem>> -> memref<16x128xf32, #tpu.memory_space<vmem>>
    %dma_start3A_284 = arith.constant 96 : i32
    %dma_start3A_285 = tpu.memref_slice %arg9[%dma_start3A_284] : memref<512xi32, #tpu.memory_space<vmem>> -> memref<16xi32, #tpu.memory_space<vmem>>
    %dma_start3A_286 = arith.constant 0 : i32
    %dma_start3A_287 = arith.constant 0 : i32
    %dma_start3A_288 = tpu.memref_slice %arg5[%dma_start3A_286, %dma_start3A_287] : memref<100000x128xf32, #tpu.memory_space<hbm>> -> memref<100000x128xf32, #tpu.memory_space<hbm>>
    %dma_start3A_289 = tpu.memref_slice %arg15[%dma_start3A_279] : memref<9x!tpu.dma_semaphore, #tpu.memory_space<semaphore_mem>> -> memref<1x!tpu.dma_semaphore, #tpu.memory_space<semaphore_mem>>
    %dma_start3A_290 = tpu.memref_squeeze %dma_start3A_289 : memref<1x!tpu.dma_semaphore, #tpu.memory_space<semaphore_mem>> -> memref<!tpu.dma_semaphore, #tpu.memory_space<semaphore_mem>>
    tpu.enqueue_indirect_dma source(%dma_start3A_288 : memref<100000x128xf32, #tpu.memory_space<hbm>>) target(%dma_start3A_283 : memref<16x128xf32, #tpu.memory_space<vmem>>) offsets(%dma_start3A_285 : memref<16xi32, #tpu.memory_space<vmem>>) semaphore(%dma_start3A_290 : memref<!tpu.dma_semaphore, #tpu.memory_space<semaphore_mem>>)
    %dma_start3A_291 = arith.constant 6 : i32
    %dma_start3A_292 = arith.constant 6 : i32
    %dma_start3A_293 = arith.constant 0 : i32
    %dma_start3A_294 = arith.constant 0 : i32
    %dma_start3A_295 = tpu.memref_slice %arg13[%dma_start3A_291, %dma_start3A_293, %dma_start3A_294] : memref<8x16x128xi32, #tpu.memory_space<vmem>> -> memref<1x16x128xi32, #tpu.memory_space<vmem>>
    %dma_start3A_296 = tpu.memref_squeeze %dma_start3A_295 : memref<1x16x128xi32, #tpu.memory_space<vmem>> -> memref<16x128xi32, #tpu.memory_space<vmem>>
    %dma_start3A_297 = arith.constant 96 : i32
    %dma_start3A_298 = tpu.memref_slice %arg10[%dma_start3A_297] : memref<512xi32, #tpu.memory_space<vmem>> -> memref<16xi32, #tpu.memory_space<vmem>>
    %dma_start3A_299 = arith.constant 0 : i32
    %dma_start3A_300 = arith.constant 0 : i32
    %dma_start3A_301 = tpu.memref_slice %arg6[%dma_start3A_299, %dma_start3A_300] : memref<1000x128xi32, #tpu.memory_space<hbm>> -> memref<1000x128xi32, #tpu.memory_space<hbm>>
    %dma_start3A_302 = tpu.memref_slice %arg15[%dma_start3A_292] : memref<9x!tpu.dma_semaphore, #tpu.memory_space<semaphore_mem>> -> memref<1x!tpu.dma_semaphore, #tpu.memory_space<semaphore_mem>>
    %dma_start3A_303 = tpu.memref_squeeze %dma_start3A_302 : memref<1x!tpu.dma_semaphore, #tpu.memory_space<semaphore_mem>> -> memref<!tpu.dma_semaphore, #tpu.memory_space<semaphore_mem>>
    tpu.enqueue_indirect_dma source(%dma_start3A_301 : memref<1000x128xi32, #tpu.memory_space<hbm>>) target(%dma_start3A_296 : memref<16x128xi32, #tpu.memory_space<vmem>>) offsets(%dma_start3A_298 : memref<16xi32, #tpu.memory_space<vmem>>) semaphore(%dma_start3A_303 : memref<!tpu.dma_semaphore, #tpu.memory_space<semaphore_mem>>)
    %scan3A = arith.constant 0 : i32
    %scan3A_304 = arith.constant 32 : i32
    %scan3A_305 = arith.addi %scan3A, %scan3A_304 : i32
    %scan3A_306 = arith.constant 1 : i32
    scf.for %scan3A_308 = %scan3A to %scan3A_305 step %scan3A_306  : i32 {
      %mul3A_309 = arith.constant 1 : i32
      %mul3A_310 = arith.muli %scan3A_308, %mul3A_309 : i32
      %add3A_311 = arith.constant 0 : i32
      %add3A_312 = arith.addi %add3A_311, %mul3A_310 : i32
      %rem3A = arith.constant 8 : i32
      %rem3A_313 = arith.remsi %add3A_312, %rem3A : i32
      %add3A_314 = arith.constant 8 : i32
      %add3A_315 = arith.addi %add3A_312, %add3A_314 : i32
      %sub3A = arith.constant 1 : i32
      %sub3A_316 = arith.subi %add3A_315, %sub3A : i32
      %lt3A = arith.constant 32 : i32
      %lt3A_317 = arith.cmpi slt, %sub3A_316, %lt3A : i32
      %convert_element_type3A = arith.extui %lt3A_317 : i1 to i32
      %cond3A = arith.constant 0 : i32
      %cond3A_318 = arith.cmpi ne, %convert_element_type3A, %cond3A : i32
      scf.if %cond3A_318 {
        %add3A_370 = arith.constant 8 : i32
        %add3A_371 = arith.addi %add3A_312, %add3A_370 : i32
        %sub3A_372 = arith.constant 1 : i32
        %sub3A_373 = arith.subi %add3A_371, %sub3A_372 : i32
        %add3A_374 = arith.constant 8 : i32
        %add3A_375 = arith.addi %add3A_312, %add3A_374 : i32
        %sub3A_376 = arith.constant 1 : i32
        %sub3A_377 = arith.subi %add3A_375, %sub3A_376 : i32
        %rem3A_378 = arith.constant 8 : i32
        %rem3A_379 = arith.remsi %sub3A_377, %rem3A_378 : i32
        %mul3A_380 = arith.constant 16 : i32
        %mul3A_381 = arith.muli %sub3A_373, %mul3A_380 : i32
        %dma_start3A_382 = arith.constant 0 : i32
        %dma_start3A_383 = arith.constant 0 : i32
        %dma_start3A_384 = tpu.memref_slice %arg11[%rem3A_379, %dma_start3A_382, %dma_start3A_383] : memref<8x16x128xf32, #tpu.memory_space<vmem>> -> memref<1x16x128xf32, #tpu.memory_space<vmem>>
        %dma_start3A_385 = tpu.memref_squeeze %dma_start3A_384 : memref<1x16x128xf32, #tpu.memory_space<vmem>> -> memref<16x128xf32, #tpu.memory_space<vmem>>
        %dma_start3A_386 = tpu.memref_slice %arg8[%mul3A_381] : memref<512xi32, #tpu.memory_space<vmem>> -> memref<16xi32, #tpu.memory_space<vmem>>
        %dma_start3A_387 = arith.constant 0 : i32
        %dma_start3A_388 = arith.constant 0 : i32
        %dma_start3A_389 = tpu.memref_slice %arg5[%dma_start3A_387, %dma_start3A_388] : memref<100000x128xf32, #tpu.memory_space<hbm>> -> memref<100000x128xf32, #tpu.memory_space<hbm>>
        %dma_start3A_390 = tpu.memref_slice %arg15[%rem3A_379] : memref<9x!tpu.dma_semaphore, #tpu.memory_space<semaphore_mem>> -> memref<1x!tpu.dma_semaphore, #tpu.memory_space<semaphore_mem>>
        %dma_start3A_391 = tpu.memref_squeeze %dma_start3A_390 : memref<1x!tpu.dma_semaphore, #tpu.memory_space<semaphore_mem>> -> memref<!tpu.dma_semaphore, #tpu.memory_space<semaphore_mem>>
        tpu.enqueue_indirect_dma source(%dma_start3A_389 : memref<100000x128xf32, #tpu.memory_space<hbm>>) target(%dma_start3A_385 : memref<16x128xf32, #tpu.memory_space<vmem>>) offsets(%dma_start3A_386 : memref<16xi32, #tpu.memory_space<vmem>>) semaphore(%dma_start3A_391 : memref<!tpu.dma_semaphore, #tpu.memory_space<semaphore_mem>>)
        %dma_start3A_392 = arith.constant 0 : i32
        %dma_start3A_393 = arith.constant 0 : i32
        %dma_start3A_394 = tpu.memref_slice %arg12[%rem3A_379, %dma_start3A_392, %dma_start3A_393] : memref<8x16x128xf32, #tpu.memory_space<vmem>> -> memref<1x16x128xf32, #tpu.memory_space<vmem>>
        %dma_start3A_395 = tpu.memref_squeeze %dma_start3A_394 : memref<1x16x128xf32, #tpu.memory_space<vmem>> -> memref<16x128xf32, #tpu.memory_space<vmem>>
        %dma_start3A_396 = tpu.memref_slice %arg9[%mul3A_381] : memref<512xi32, #tpu.memory_space<vmem>> -> memref<16xi32, #tpu.memory_space<vmem>>
        %dma_start3A_397 = arith.constant 0 : i32
        %dma_start3A_398 = arith.constant 0 : i32
        %dma_start3A_399 = tpu.memref_slice %arg5[%dma_start3A_397, %dma_start3A_398] : memref<100000x128xf32, #tpu.memory_space<hbm>> -> memref<100000x128xf32, #tpu.memory_space<hbm>>
        %dma_start3A_400 = tpu.memref_slice %arg15[%rem3A_379] : memref<9x!tpu.dma_semaphore, #tpu.memory_space<semaphore_mem>> -> memref<1x!tpu.dma_semaphore, #tpu.memory_space<semaphore_mem>>
        %dma_start3A_401 = tpu.memref_squeeze %dma_start3A_400 : memref<1x!tpu.dma_semaphore, #tpu.memory_space<semaphore_mem>> -> memref<!tpu.dma_semaphore, #tpu.memory_space<semaphore_mem>>
        tpu.enqueue_indirect_dma source(%dma_start3A_399 : memref<100000x128xf32, #tpu.memory_space<hbm>>) target(%dma_start3A_395 : memref<16x128xf32, #tpu.memory_space<vmem>>) offsets(%dma_start3A_396 : memref<16xi32, #tpu.memory_space<vmem>>) semaphore(%dma_start3A_401 : memref<!tpu.dma_semaphore, #tpu.memory_space<semaphore_mem>>)
        %dma_start3A_402 = arith.constant 0 : i32
        %dma_start3A_403 = arith.constant 0 : i32
        %dma_start3A_404 = tpu.memref_slice %arg13[%rem3A_379, %dma_start3A_402, %dma_start3A_403] : memref<8x16x128xi32, #tpu.memory_space<vmem>> -> memref<1x16x128xi32, #tpu.memory_space<vmem>>
        %dma_start3A_405 = tpu.memref_squeeze %dma_start3A_404 : memref<1x16x128xi32, #tpu.memory_space<vmem>> -> memref<16x128xi32, #tpu.memory_space<vmem>>
        %dma_start3A_406 = tpu.memref_slice %arg10[%mul3A_381] : memref<512xi32, #tpu.memory_space<vmem>> -> memref<16xi32, #tpu.memory_space<vmem>>
        %dma_start3A_407 = arith.constant 0 : i32
        %dma_start3A_408 = arith.constant 0 : i32
        %dma_start3A_409 = tpu.memref_slice %arg6[%dma_start3A_407, %dma_start3A_408] : memref<1000x128xi32, #tpu.memory_space<hbm>> -> memref<1000x128xi32, #tpu.memory_space<hbm>>
        %dma_start3A_410 = tpu.memref_slice %arg15[%rem3A_379] : memref<9x!tpu.dma_semaphore, #tpu.memory_space<semaphore_mem>> -> memref<1x!tpu.dma_semaphore, #tpu.memory_space<semaphore_mem>>
        %dma_start3A_411 = tpu.memref_squeeze %dma_start3A_410 : memref<1x!tpu.dma_semaphore, #tpu.memory_space<semaphore_mem>> -> memref<!tpu.dma_semaphore, #tpu.memory_space<semaphore_mem>>
        tpu.enqueue_indirect_dma source(%dma_start3A_409 : memref<1000x128xi32, #tpu.memory_space<hbm>>) target(%dma_start3A_405 : memref<16x128xi32, #tpu.memory_space<vmem>>) offsets(%dma_start3A_406 : memref<16xi32, #tpu.memory_space<vmem>>) semaphore(%dma_start3A_411 : memref<!tpu.dma_semaphore, #tpu.memory_space<semaphore_mem>>)
      } else {
      }
      %mul3A_319 = arith.constant 16 : i32
      %mul3A_320 = arith.muli %add3A_312, %mul3A_319 : i32
      %dma_wait3A_321 = arith.constant 0 : i32
      %dma_wait3A_322 = arith.constant 0 : i32
      %dma_wait3A_323 = tpu.memref_slice %arg11[%rem3A_313, %dma_wait3A_321, %dma_wait3A_322] : memref<8x16x128xf32, #tpu.memory_space<vmem>> -> memref<1x16x128xf32, #tpu.memory_space<vmem>>
      %dma_wait3A_324 = tpu.memref_squeeze %dma_wait3A_323 : memref<1x16x128xf32, #tpu.memory_space<vmem>> -> memref<16x128xf32, #tpu.memory_space<vmem>>
      %dma_wait3A_325 = tpu.memref_slice %arg8[%mul3A_320] : memref<512xi32, #tpu.memory_space<vmem>> -> memref<16xi32, #tpu.memory_space<vmem>>
      %dma_wait3A_326 = arith.constant 0 : i32
      %dma_wait3A_327 = arith.constant 0 : i32
      %dma_wait3A_328 = tpu.memref_slice %arg5[%dma_wait3A_326, %dma_wait3A_327] : memref<100000x128xf32, #tpu.memory_space<hbm>> -> memref<100000x128xf32, #tpu.memory_space<hbm>>
      %dma_wait3A_329 = tpu.memref_slice %arg15[%rem3A_313] : memref<9x!tpu.dma_semaphore, #tpu.memory_space<semaphore_mem>> -> memref<1x!tpu.dma_semaphore, #tpu.memory_space<semaphore_mem>>
      %dma_wait3A_330 = tpu.memref_squeeze %dma_wait3A_329 : memref<1x!tpu.dma_semaphore, #tpu.memory_space<semaphore_mem>> -> memref<!tpu.dma_semaphore, #tpu.memory_space<semaphore_mem>>
      tpu.wait_indirect_dma semaphore(%dma_wait3A_330 : memref<!tpu.dma_semaphore, #tpu.memory_space<semaphore_mem>>) src(%dma_wait3A_328 : memref<100000x128xf32, #tpu.memory_space<hbm>>) dst(%dma_wait3A_324 : memref<16x128xf32, #tpu.memory_space<vmem>>)
      %dma_wait3A_331 = arith.constant 0 : i32
      %dma_wait3A_332 = arith.constant 0 : i32
      %dma_wait3A_333 = tpu.memref_slice %arg12[%rem3A_313, %dma_wait3A_331, %dma_wait3A_332] : memref<8x16x128xf32, #tpu.memory_space<vmem>> -> memref<1x16x128xf32, #tpu.memory_space<vmem>>
      %dma_wait3A_334 = tpu.memref_squeeze %dma_wait3A_333 : memref<1x16x128xf32, #tpu.memory_space<vmem>> -> memref<16x128xf32, #tpu.memory_space<vmem>>
      %dma_wait3A_335 = tpu.memref_slice %arg9[%mul3A_320] : memref<512xi32, #tpu.memory_space<vmem>> -> memref<16xi32, #tpu.memory_space<vmem>>
      %dma_wait3A_336 = arith.constant 0 : i32
      %dma_wait3A_337 = arith.constant 0 : i32
      %dma_wait3A_338 = tpu.memref_slice %arg5[%dma_wait3A_336, %dma_wait3A_337] : memref<100000x128xf32, #tpu.memory_space<hbm>> -> memref<100000x128xf32, #tpu.memory_space<hbm>>
      %dma_wait3A_339 = tpu.memref_slice %arg15[%rem3A_313] : memref<9x!tpu.dma_semaphore, #tpu.memory_space<semaphore_mem>> -> memref<1x!tpu.dma_semaphore, #tpu.memory_space<semaphore_mem>>
      %dma_wait3A_340 = tpu.memref_squeeze %dma_wait3A_339 : memref<1x!tpu.dma_semaphore, #tpu.memory_space<semaphore_mem>> -> memref<!tpu.dma_semaphore, #tpu.memory_space<semaphore_mem>>
      tpu.wait_indirect_dma semaphore(%dma_wait3A_340 : memref<!tpu.dma_semaphore, #tpu.memory_space<semaphore_mem>>) src(%dma_wait3A_338 : memref<100000x128xf32, #tpu.memory_space<hbm>>) dst(%dma_wait3A_334 : memref<16x128xf32, #tpu.memory_space<vmem>>)
      %dma_wait3A_341 = arith.constant 0 : i32
      %dma_wait3A_342 = arith.constant 0 : i32
      %dma_wait3A_343 = tpu.memref_slice %arg13[%rem3A_313, %dma_wait3A_341, %dma_wait3A_342] : memref<8x16x128xi32, #tpu.memory_space<vmem>> -> memref<1x16x128xi32, #tpu.memory_space<vmem>>
      %dma_wait3A_344 = tpu.memref_squeeze %dma_wait3A_343 : memref<1x16x128xi32, #tpu.memory_space<vmem>> -> memref<16x128xi32, #tpu.memory_space<vmem>>
      %dma_wait3A_345 = tpu.memref_slice %arg10[%mul3A_320] : memref<512xi32, #tpu.memory_space<vmem>> -> memref<16xi32, #tpu.memory_space<vmem>>
      %dma_wait3A_346 = arith.constant 0 : i32
      %dma_wait3A_347 = arith.constant 0 : i32
      %dma_wait3A_348 = tpu.memref_slice %arg6[%dma_wait3A_346, %dma_wait3A_347] : memref<1000x128xi32, #tpu.memory_space<hbm>> -> memref<1000x128xi32, #tpu.memory_space<hbm>>
      %dma_wait3A_349 = tpu.memref_slice %arg15[%rem3A_313] : memref<9x!tpu.dma_semaphore, #tpu.memory_space<semaphore_mem>> -> memref<1x!tpu.dma_semaphore, #tpu.memory_space<semaphore_mem>>
      %dma_wait3A_350 = tpu.memref_squeeze %dma_wait3A_349 : memref<1x!tpu.dma_semaphore, #tpu.memory_space<semaphore_mem>> -> memref<!tpu.dma_semaphore, #tpu.memory_space<semaphore_mem>>
      tpu.wait_indirect_dma semaphore(%dma_wait3A_350 : memref<!tpu.dma_semaphore, #tpu.memory_space<semaphore_mem>>) src(%dma_wait3A_348 : memref<1000x128xi32, #tpu.memory_space<hbm>>) dst(%dma_wait3A_344 : memref<16x128xi32, #tpu.memory_space<vmem>>)
      %scan3A_351 = arith.constant 0 : i32
      %scan3A_352 = arith.constant 0 : i32
      %broadcast_in_dim3A = arith.constant 0.000000e+00 : f32
      %broadcast_in_dim3A_353 = vector.broadcast %broadcast_in_dim3A : f32 to vector<16xf32>
      %scan3A_354 = arith.constant 0 : i32
      %scan3A_355 = arith.constant 16 : i32
      %scan3A_356 = arith.addi %scan3A_354, %scan3A_355 : i32
      %scan3A_357 = arith.constant 1 : i32
      %scan3A_358 = scf.for %scan3A_370 = %scan3A_354 to %scan3A_356 step %scan3A_357 iter_args(%scan3A_371 = %broadcast_in_dim3A_353) -> (vector<16xf32>)  : i32 {
        %mul3A_372 = arith.constant 16 : i32
        %mul3A_373 = arith.muli %scan3A_352, %mul3A_372 : i32
        %add3A_374 = arith.addi %mul3A_373, %scan3A_370 : i32
        %broadcast_in_dim3A_375 = arith.constant 0.000000e+00 : f32
        %broadcast_in_dim3A_376 = vector.broadcast %broadcast_in_dim3A_375 : f32 to vector<16xf32>
        %get3A = arith.index_cast %rem3A_313 : i32 to index
        %get3A_377 = arith.index_cast %add3A_374 : i32 to index
        %get3A_378 = arith.constant 64 : index
        %get3A_379 = tpu.vector_load %arg13[%get3A, %get3A_377, %get3A_378] {strides = array<i32>} : memref<8x16x128xi32, #tpu.memory_space<vmem>>, vector<1x1x16xi32>,
        %get3A_380 = vector.shape_cast %get3A_379 : vector<1x1x16xi32> to vector<16xi32>
        %shift_left3A = arith.constant 16 : i32
        %shift_left3A_381 = vector.broadcast %shift_left3A : i32 to vector<16xi32>
        %shift_left3A_382 = arith.shli %get3A_380, %shift_left3A_381 : vector<16xi32>
        %bitcast_convert_type3A = tpu.bitcast %shift_left3A_382 : vector<16xi32> -> vector<16xf32>
        %and3A = arith.constant -65536 : i32
        %and3A_383 = vector.broadcast %and3A : i32 to vector<16xi32>
        %and3A_384 = arith.andi %get3A_380, %and3A_383 : vector<16xi32>
        %bitcast_convert_type3A_385 = tpu.bitcast %and3A_384 : vector<16xi32> -> vector<16xf32>
        %get3A_386 = arith.index_cast %rem3A_313 : i32 to index
        %get3A_387 = arith.index_cast %add3A_374 : i32 to index
        %get3A_388 = arith.constant 0 : index
        %get3A_389 = tpu.vector_load %arg11[%get3A_386, %get3A_387, %get3A_388] {strides = array<i32>} : memref<8x16x128xf32, #tpu.memory_space<vmem>>, vector<1x1x16xf32>,
        %get3A_390 = vector.shape_cast %get3A_389 : vector<1x1x16xf32> to vector<16xf32>
        %get3A_391 = arith.index_cast %rem3A_313 : i32 to index
        %get3A_392 = arith.index_cast %add3A_374 : i32 to index
        %get3A_393 = arith.constant 0 : index
        %get3A_394 = tpu.vector_load %arg12[%get3A_391, %get3A_392, %get3A_393] {strides = array<i32>} : memref<8x16x128xf32, #tpu.memory_space<vmem>>, vector<1x1x16xf32>,
        %get3A_395 = vector.shape_cast %get3A_394 : vector<1x1x16xf32> to vector<16xf32>
        %sub3A_396 = arith.subf %get3A_390, %get3A_395 : vector<16xf32>
        %mul3A_397 = arith.mulf %sub3A_396, %bitcast_convert_type3A : vector<16xf32>
        %add3A_398 = arith.addf %broadcast_in_dim3A_376, %mul3A_397 : vector<16xf32>
        %get3A_399 = arith.index_cast %rem3A_313 : i32 to index
        %get3A_400 = arith.index_cast %add3A_374 : i32 to index
        %get3A_401 = arith.constant 16 : index
        %get3A_402 = tpu.vector_load %arg11[%get3A_399, %get3A_400, %get3A_401] {strides = array<i32>} : memref<8x16x128xf32, #tpu.memory_space<vmem>>, vector<1x1x16xf32>,
        %get3A_403 = vector.shape_cast %get3A_402 : vector<1x1x16xf32> to vector<16xf32>
        %get3A_404 = arith.index_cast %rem3A_313 : i32 to index
        %get3A_405 = arith.index_cast %add3A_374 : i32 to index
        %get3A_406 = arith.constant 16 : index
        %get3A_407 = tpu.vector_load %arg12[%get3A_404, %get3A_405, %get3A_406] {strides = array<i32>} : memref<8x16x128xf32, #tpu.memory_space<vmem>>, vector<1x1x16xf32>,
        %get3A_408 = vector.shape_cast %get3A_407 : vector<1x1x16xf32> to vector<16xf32>
        %sub3A_409 = arith.subf %get3A_403, %get3A_408 : vector<16xf32>
        %mul3A_410 = arith.mulf %sub3A_409, %bitcast_convert_type3A_385 : vector<16xf32>
        %add3A_411 = arith.addf %add3A_398, %mul3A_410 : vector<16xf32>
        %get3A_412 = arith.index_cast %rem3A_313 : i32 to index
        %get3A_413 = arith.index_cast %add3A_374 : i32 to index
        %get3A_414 = arith.constant 80 : index
        %get3A_415 = tpu.vector_load %arg13[%get3A_412, %get3A_413, %get3A_414] {strides = array<i32>} : memref<8x16x128xi32, #tpu.memory_space<vmem>>, vector<1x1x16xi32>,
        %get3A_416 = vector.shape_cast %get3A_415 : vector<1x1x16xi32> to vector<16xi32>
        %shift_left3A_417 = arith.constant 16 : i32
        %shift_left3A_418 = vector.broadcast %shift_left3A_417 : i32 to vector<16xi32>
        %shift_left3A_419 = arith.shli %get3A_416, %shift_left3A_418 : vector<16xi32>
        %bitcast_convert_type3A_420 = tpu.bitcast %shift_left3A_419 : vector<16xi32> -> vector<16xf32>
        %and3A_421 = arith.constant -65536 : i32
        %and3A_422 = vector.broadcast %and3A_421 : i32 to vector<16xi32>
        %and3A_423 = arith.andi %get3A_416, %and3A_422 : vector<16xi32>
        %bitcast_convert_type3A_424 = tpu.bitcast %and3A_423 : vector<16xi32> -> vector<16xf32>
        %get3A_425 = arith.index_cast %rem3A_313 : i32 to index
        %get3A_426 = arith.index_cast %add3A_374 : i32 to index
        %get3A_427 = arith.constant 32 : index
        %get3A_428 = tpu.vector_load %arg11[%get3A_425, %get3A_426, %get3A_427] {strides = array<i32>} : memref<8x16x128xf32, #tpu.memory_space<vmem>>, vector<1x1x16xf32>,
        %get3A_429 = vector.shape_cast %get3A_428 : vector<1x1x16xf32> to vector<16xf32>
        %get3A_430 = arith.index_cast %rem3A_313 : i32 to index
        %get3A_431 = arith.index_cast %add3A_374 : i32 to index
        %get3A_432 = arith.constant 32 : index
        %get3A_433 = tpu.vector_load %arg12[%get3A_430, %get3A_431, %get3A_432] {strides = array<i32>} : memref<8x16x128xf32, #tpu.memory_space<vmem>>, vector<1x1x16xf32>,
        %get3A_434 = vector.shape_cast %get3A_433 : vector<1x1x16xf32> to vector<16xf32>
        %sub3A_435 = arith.subf %get3A_429, %get3A_434 : vector<16xf32>
        %mul3A_436 = arith.mulf %sub3A_435, %bitcast_convert_type3A_420 : vector<16xf32>
        %add3A_437 = arith.addf %add3A_411, %mul3A_436 : vector<16xf32>
        %get3A_438 = arith.index_cast %rem3A_313 : i32 to index
        %get3A_439 = arith.index_cast %add3A_374 : i32 to index
        %get3A_440 = arith.constant 48 : index
        %get3A_441 = tpu.vector_load %arg11[%get3A_438, %get3A_439, %get3A_440] {strides = array<i32>} : memref<8x16x128xf32, #tpu.memory_space<vmem>>, vector<1x1x16xf32>,
        %get3A_442 = vector.shape_cast %get3A_441 : vector<1x1x16xf32> to vector<16xf32>
        %get3A_443 = arith.index_cast %rem3A_313 : i32 to index
        %get3A_444 = arith.index_cast %add3A_374 : i32 to index
        %get3A_445 = arith.constant 48 : index
        %get3A_446 = tpu.vector_load %arg12[%get3A_443, %get3A_444, %get3A_445] {strides = array<i32>} : memref<8x16x128xf32, #tpu.memory_space<vmem>>, vector<1x1x16xf32>,
        %get3A_447 = vector.shape_cast %get3A_446 : vector<1x1x16xf32> to vector<16xf32>
        %sub3A_448 = arith.subf %get3A_442, %get3A_447 : vector<16xf32>
        %mul3A_449 = arith.mulf %sub3A_448, %bitcast_convert_type3A_424 : vector<16xf32>
        %add3A_450 = arith.addf %add3A_437, %mul3A_449 : vector<16xf32>
        %get3A_451 = arith.index_cast %rem3A_313 : i32 to index
        %get3A_452 = arith.index_cast %add3A_374 : i32 to index
        %get3A_453 = arith.constant 96 : index
        %get3A_454 = tpu.vector_load %arg13[%get3A_451, %get3A_452, %get3A_453] {strides = array<i32>} : memref<8x16x128xi32, #tpu.memory_space<vmem>>, vector<1x1x16xi32>,
        %get3A_455 = vector.shape_cast %get3A_454 : vector<1x1x16xi32> to vector<16xi32>
        %shift_left3A_456 = arith.constant 16 : i32
        %shift_left3A_457 = vector.broadcast %shift_left3A_456 : i32 to vector<16xi32>
        %shift_left3A_458 = arith.shli %get3A_455, %shift_left3A_457 : vector<16xi32>
        %bitcast_convert_type3A_459 = tpu.bitcast %shift_left3A_458 : vector<16xi32> -> vector<16xf32>
        %and3A_460 = arith.constant -65536 : i32
        %and3A_461 = vector.broadcast %and3A_460 : i32 to vector<16xi32>
        %and3A_462 = arith.andi %get3A_455, %and3A_461 : vector<16xi32>
        %bitcast_convert_type3A_463 = tpu.bitcast %and3A_462 : vector<16xi32> -> vector<16xf32>
        %get3A_464 = arith.index_cast %rem3A_313 : i32 to index
        %get3A_465 = arith.index_cast %add3A_374 : i32 to index
        %get3A_466 = arith.constant 64 : index
        %get3A_467 = tpu.vector_load %arg11[%get3A_464, %get3A_465, %get3A_466] {strides = array<i32>} : memref<8x16x128xf32, #tpu.memory_space<vmem>>, vector<1x1x16xf32>,
        %get3A_468 = vector.shape_cast %get3A_467 : vector<1x1x16xf32> to vector<16xf32>
        %get3A_469 = arith.index_cast %rem3A_313 : i32 to index
        %get3A_470 = arith.index_cast %add3A_374 : i32 to index
        %get3A_471 = arith.constant 64 : index
        %get3A_472 = tpu.vector_load %arg12[%get3A_469, %get3A_470, %get3A_471] {strides = array<i32>} : memref<8x16x128xf32, #tpu.memory_space<vmem>>, vector<1x1x16xf32>,
        %get3A_473 = vector.shape_cast %get3A_472 : vector<1x1x16xf32> to vector<16xf32>
        %sub3A_474 = arith.subf %get3A_468, %get3A_473 : vector<16xf32>
        %mul3A_475 = arith.mulf %sub3A_474, %bitcast_convert_type3A_459 : vector<16xf32>
        %add3A_476 = arith.addf %add3A_450, %mul3A_475 : vector<16xf32>
        %get3A_477 = arith.index_cast %rem3A_313 : i32 to index
        %get3A_478 = arith.index_cast %add3A_374 : i32 to index
        %get3A_479 = arith.constant 80 : index
        %get3A_480 = tpu.vector_load %arg11[%get3A_477, %get3A_478, %get3A_479] {strides = array<i32>} : memref<8x16x128xf32, #tpu.memory_space<vmem>>, vector<1x1x16xf32>,
        %get3A_481 = vector.shape_cast %get3A_480 : vector<1x1x16xf32> to vector<16xf32>
        %get3A_482 = arith.index_cast %rem3A_313 : i32 to index
        %get3A_483 = arith.index_cast %add3A_374 : i32 to index
        %get3A_484 = arith.constant 80 : index
        %get3A_485 = tpu.vector_load %arg12[%get3A_482, %get3A_483, %get3A_484] {strides = array<i32>} : memref<8x16x128xf32, #tpu.memory_space<vmem>>, vector<1x1x16xf32>,
        %get3A_486 = vector.shape_cast %get3A_485 : vector<1x1x16xf32> to vector<16xf32>
        %sub3A_487 = arith.subf %get3A_481, %get3A_486 : vector<16xf32>
        %mul3A_488 = arith.mulf %sub3A_487, %bitcast_convert_type3A_463 : vector<16xf32>
        %add3A_489 = arith.addf %add3A_476, %mul3A_488 : vector<16xf32>
        %get3A_490 = arith.index_cast %rem3A_313 : i32 to index
        %get3A_491 = arith.index_cast %add3A_374 : i32 to index
        %get3A_492 = arith.constant 112 : index
        %get3A_493 = tpu.vector_load %arg13[%get3A_490, %get3A_491, %get3A_492] {strides = array<i32>} : memref<8x16x128xi32, #tpu.memory_space<vmem>>, vector<1x1x16xi32>,
        %get3A_494 = vector.shape_cast %get3A_493 : vector<1x1x16xi32> to vector<16xi32>
        %shift_left3A_495 = arith.constant 16 : i32
        %shift_left3A_496 = vector.broadcast %shift_left3A_495 : i32 to vector<16xi32>
        %shift_left3A_497 = arith.shli %get3A_494, %shift_left3A_496 : vector<16xi32>
        %bitcast_convert_type3A_498 = tpu.bitcast %shift_left3A_497 : vector<16xi32> -> vector<16xf32>
        %and3A_499 = arith.constant -65536 : i32
        %and3A_500 = vector.broadcast %and3A_499 : i32 to vector<16xi32>
        %and3A_501 = arith.andi %get3A_494, %and3A_500 : vector<16xi32>
        %bitcast_convert_type3A_502 = tpu.bitcast %and3A_501 : vector<16xi32> -> vector<16xf32>
        %get3A_503 = arith.index_cast %rem3A_313 : i32 to index
        %get3A_504 = arith.index_cast %add3A_374 : i32 to index
        %get3A_505 = arith.constant 96 : index
        %get3A_506 = tpu.vector_load %arg11[%get3A_503, %get3A_504, %get3A_505] {strides = array<i32>} : memref<8x16x128xf32, #tpu.memory_space<vmem>>, vector<1x1x16xf32>,
        %get3A_507 = vector.shape_cast %get3A_506 : vector<1x1x16xf32> to vector<16xf32>
        %get3A_508 = arith.index_cast %rem3A_313 : i32 to index
        %get3A_509 = arith.index_cast %add3A_374 : i32 to index
        %get3A_510 = arith.constant 96 : index
        %get3A_511 = tpu.vector_load %arg12[%get3A_508, %get3A_509, %get3A_510] {strides = array<i32>} : memref<8x16x128xf32, #tpu.memory_space<vmem>>, vector<1x1x16xf32>,
        %get3A_512 = vector.shape_cast %get3A_511 : vector<1x1x16xf32> to vector<16xf32>
        %sub3A_513 = arith.subf %get3A_507, %get3A_512 : vector<16xf32>
        %mul3A_514 = arith.mulf %sub3A_513, %bitcast_convert_type3A_498 : vector<16xf32>
        %add3A_515 = arith.addf %add3A_489, %mul3A_514 : vector<16xf32>
        %get3A_516 = arith.index_cast %rem3A_313 : i32 to index
        %get3A_517 = arith.index_cast %add3A_374 : i32 to index
        %get3A_518 = arith.constant 112 : index
        %get3A_519 = tpu.vector_load %arg11[%get3A_516, %get3A_517, %get3A_518] {strides = array<i32>} : memref<8x16x128xf32, #tpu.memory_space<vmem>>, vector<1x1x16xf32>,
        %get3A_520 = vector.shape_cast %get3A_519 : vector<1x1x16xf32> to vector<16xf32>
        %get3A_521 = arith.index_cast %rem3A_313 : i32 to index
        %get3A_522 = arith.index_cast %add3A_374 : i32 to index
        %get3A_523 = arith.constant 112 : index
        %get3A_524 = tpu.vector_load %arg12[%get3A_521, %get3A_522, %get3A_523] {strides = array<i32>} : memref<8x16x128xf32, #tpu.memory_space<vmem>>, vector<1x1x16xf32>,
        %get3A_525 = vector.shape_cast %get3A_524 : vector<1x1x16xf32> to vector<16xf32>
        %sub3A_526 = arith.subf %get3A_520, %get3A_525 : vector<16xf32>
        %mul3A_527 = arith.mulf %sub3A_526, %bitcast_convert_type3A_502 : vector<16xf32>
        %add3A_528 = arith.addf %add3A_515, %mul3A_527 : vector<16xf32>
        %xor3A = arith.constant 8 : i32
        %xor3A_529 = vector.broadcast %xor3A : i32 to vector<16xi32>
        %xor3A_530 = arith.xori %iota3A, %xor3A_529 : vector<16xi32>
        %broadcast_in_dim3A_531 = vector.shape_cast %xor3A_530 : vector<16xi32> to vector<16x1xi32>
        %gather3A = vector.shape_cast %broadcast_in_dim3A_531 : vector<16x1xi32> to vector<16xi32>
        %gather3A_532 = tpu.dynamic_gather %add3A_528[%gather3A] in [0] : vector<16xf32>, vector<16xi32> -> vector<16xf32>
        %add3A_533 = arith.addf %add3A_528, %gather3A_532 : vector<16xf32>
        %xor3A_534 = arith.constant 4 : i32
        %xor3A_535 = vector.broadcast %xor3A_534 : i32 to vector<16xi32>
        %xor3A_536 = arith.xori %iota3A, %xor3A_535 : vector<16xi32>
        %broadcast_in_dim3A_537 = vector.shape_cast %xor3A_536 : vector<16xi32> to vector<16x1xi32>
        %gather3A_538 = vector.shape_cast %broadcast_in_dim3A_537 : vector<16x1xi32> to vector<16xi32>
        %gather3A_539 = tpu.dynamic_gather %add3A_533[%gather3A_538] in [0] : vector<16xf32>, vector<16xi32> -> vector<16xf32>
        %add3A_540 = arith.addf %add3A_533, %gather3A_539 : vector<16xf32>
        %xor3A_541 = arith.constant 2 : i32
        %xor3A_542 = vector.broadcast %xor3A_541 : i32 to vector<16xi32>
        %xor3A_543 = arith.xori %iota3A, %xor3A_542 : vector<16xi32>
        %broadcast_in_dim3A_544 = vector.shape_cast %xor3A_543 : vector<16xi32> to vector<16x1xi32>
        %gather3A_545 = vector.shape_cast %broadcast_in_dim3A_544 : vector<16x1xi32> to vector<16xi32>
        %gather3A_546 = tpu.dynamic_gather %add3A_540[%gather3A_545] in [0] : vector<16xf32>, vector<16xi32> -> vector<16xf32>
        %add3A_547 = arith.addf %add3A_540, %gather3A_546 : vector<16xf32>
        %xor3A_548 = arith.constant 1 : i32
        %xor3A_549 = vector.broadcast %xor3A_548 : i32 to vector<16xi32>
        %xor3A_550 = arith.xori %iota3A, %xor3A_549 : vector<16xi32>
        %broadcast_in_dim3A_551 = vector.shape_cast %xor3A_550 : vector<16xi32> to vector<16x1xi32>
        %gather3A_552 = vector.shape_cast %broadcast_in_dim3A_551 : vector<16x1xi32> to vector<16xi32>
        %gather3A_553 = tpu.dynamic_gather %add3A_547[%gather3A_552] in [0] : vector<16xf32>, vector<16xi32> -> vector<16xf32>
        %add3A_554 = arith.addf %add3A_547, %gather3A_553 : vector<16xf32>
        %broadcast_in_dim3A_555 = arith.constant 0.000000e+00 : f32
        %broadcast_in_dim3A_556 = vector.broadcast %broadcast_in_dim3A_555 : f32 to vector<16xf32>
        %get3A_557 = arith.index_cast %rem3A_313 : i32 to index
        %get3A_558 = arith.index_cast %add3A_374 : i32 to index
        %get3A_559 = arith.constant 0 : index
        %get3A_560 = tpu.vector_load %arg13[%get3A_557, %get3A_558, %get3A_559] {strides = array<i32>} : memref<8x16x128xi32, #tpu.memory_space<vmem>>, vector<1x1x16xi32>,
        %get3A_561 = vector.shape_cast %get3A_560 : vector<1x1x16xi32> to vector<16xi32>
        %shift_left3A_562 = arith.constant 16 : i32
        %shift_left3A_563 = vector.broadcast %shift_left3A_562 : i32 to vector<16xi32>
        %shift_left3A_564 = arith.shli %get3A_561, %shift_left3A_563 : vector<16xi32>
        %bitcast_convert_type3A_565 = tpu.bitcast %shift_left3A_564 : vector<16xi32> -> vector<16xf32>
        %and3A_566 = arith.constant -65536 : i32
        %and3A_567 = vector.broadcast %and3A_566 : i32 to vector<16xi32>
        %and3A_568 = arith.andi %get3A_561, %and3A_567 : vector<16xi32>
        %bitcast_convert_type3A_569 = tpu.bitcast %and3A_568 : vector<16xi32> -> vector<16xf32>
        %add3A_570 = arith.addf %sub3A_396, %bitcast_convert_type3A_565 : vector<16xf32>
        %mul3A_571 = arith.mulf %add3A_554, %bitcast_convert_type3A : vector<16xf32>
        %sub3A_572 = arith.subf %add3A_570, %mul3A_571 : vector<16xf32>
        %abs3A = math.absf %sub3A_572 : vector<16xf32>
        %add3A_573 = arith.addf %broadcast_in_dim3A_556, %abs3A : vector<16xf32>
        %add3A_574 = arith.addf %sub3A_409, %bitcast_convert_type3A_569 : vector<16xf32>
        %mul3A_575 = arith.mulf %add3A_554, %bitcast_convert_type3A_385 : vector<16xf32>
        %sub3A_576 = arith.subf %add3A_574, %mul3A_575 : vector<16xf32>
        %abs3A_577 = math.absf %sub3A_576 : vector<16xf32>
        %add3A_578 = arith.addf %add3A_573, %abs3A_577 : vector<16xf32>
        %get3A_579 = arith.index_cast %rem3A_313 : i32 to index
        %get3A_580 = arith.index_cast %add3A_374 : i32 to index
        %get3A_581 = arith.constant 16 : index
        %get3A_582 = tpu.vector_load %arg13[%get3A_579, %get3A_580, %get3A_581] {strides = array<i32>} : memref<8x16x128xi32, #tpu.memory_space<vmem>>, vector<1x1x16xi32>,
        %get3A_583 = vector.shape_cast %get3A_582 : vector<1x1x16xi32> to vector<16xi32>
        %shift_left3A_584 = arith.constant 16 : i32
        %shift_left3A_585 = vector.broadcast %shift_left3A_584 : i32 to vector<16xi32>
        %shift_left3A_586 = arith.shli %get3A_583, %shift_left3A_585 : vector<16xi32>
        %bitcast_convert_type3A_587 = tpu.bitcast %shift_left3A_586 : vector<16xi32> -> vector<16xf32>
        %and3A_588 = arith.constant -65536 : i32
        %and3A_589 = vector.broadcast %and3A_588 : i32 to vector<16xi32>
        %and3A_590 = arith.andi %get3A_583, %and3A_589 : vector<16xi32>
        %bitcast_convert_type3A_591 = tpu.bitcast %and3A_590 : vector<16xi32> -> vector<16xf32>
        %add3A_592 = arith.addf %sub3A_435, %bitcast_convert_type3A_587 : vector<16xf32>
        %mul3A_593 = arith.mulf %add3A_554, %bitcast_convert_type3A_420 : vector<16xf32>
        %sub3A_594 = arith.subf %add3A_592, %mul3A_593 : vector<16xf32>
        %abs3A_595 = math.absf %sub3A_594 : vector<16xf32>
        %add3A_596 = arith.addf %add3A_578, %abs3A_595 : vector<16xf32>
        %add3A_597 = arith.addf %sub3A_448, %bitcast_convert_type3A_591 : vector<16xf32>
        %mul3A_598 = arith.mulf %add3A_554, %bitcast_convert_type3A_424 : vector<16xf32>
        %sub3A_599 = arith.subf %add3A_597, %mul3A_598 : vector<16xf32>
        %abs3A_600 = math.absf %sub3A_599 : vector<16xf32>
        %add3A_601 = arith.addf %add3A_596, %abs3A_600 : vector<16xf32>
        %get3A_602 = arith.index_cast %rem3A_313 : i32 to index
        %get3A_603 = arith.index_cast %add3A_374 : i32 to index
        %get3A_604 = arith.constant 32 : index
        %get3A_605 = tpu.vector_load %arg13[%get3A_602, %get3A_603, %get3A_604] {strides = array<i32>} : memref<8x16x128xi32, #tpu.memory_space<vmem>>, vector<1x1x16xi32>,
        %get3A_606 = vector.shape_cast %get3A_605 : vector<1x1x16xi32> to vector<16xi32>
        %shift_left3A_607 = arith.constant 16 : i32
        %shift_left3A_608 = vector.broadcast %shift_left3A_607 : i32 to vector<16xi32>
        %shift_left3A_609 = arith.shli %get3A_606, %shift_left3A_608 : vector<16xi32>
        %bitcast_convert_type3A_610 = tpu.bitcast %shift_left3A_609 : vector<16xi32> -> vector<16xf32>
        %and3A_611 = arith.constant -65536 : i32
        %and3A_612 = vector.broadcast %and3A_611 : i32 to vector<16xi32>
        %and3A_613 = arith.andi %get3A_606, %and3A_612 : vector<16xi32>
        %bitcast_convert_type3A_614 = tpu.bitcast %and3A_613 : vector<16xi32> -> vector<16xf32>
        %add3A_615 = arith.addf %sub3A_474, %bitcast_convert_type3A_610 : vector<16xf32>
        %mul3A_616 = arith.mulf %add3A_554, %bitcast_convert_type3A_459 : vector<16xf32>
        %sub3A_617 = arith.subf %add3A_615, %mul3A_616 : vector<16xf32>
        %abs3A_618 = math.absf %sub3A_617 : vector<16xf32>
        %add3A_619 = arith.addf %add3A_601, %abs3A_618 : vector<16xf32>
        %add3A_620 = arith.addf %sub3A_487, %bitcast_convert_type3A_614 : vector<16xf32>
        %mul3A_621 = arith.mulf %add3A_554, %bitcast_convert_type3A_463 : vector<16xf32>
        %sub3A_622 = arith.subf %add3A_620, %mul3A_621 : vector<16xf32>
        %abs3A_623 = math.absf %sub3A_622 : vector<16xf32>
        %add3A_624 = arith.addf %add3A_619, %abs3A_623 : vector<16xf32>
        %get3A_625 = arith.index_cast %rem3A_313 : i32 to index
        %get3A_626 = arith.index_cast %add3A_374 : i32 to index
        %get3A_627 = arith.constant 48 : index
        %get3A_628 = tpu.vector_load %arg13[%get3A_625, %get3A_626, %get3A_627] {strides = array<i32>} : memref<8x16x128xi32, #tpu.memory_space<vmem>>, vector<1x1x16xi32>,
        %get3A_629 = vector.shape_cast %get3A_628 : vector<1x1x16xi32> to vector<16xi32>
        %shift_left3A_630 = arith.constant 16 : i32
        %shift_left3A_631 = vector.broadcast %shift_left3A_630 : i32 to vector<16xi32>
        %shift_left3A_632 = arith.shli %get3A_629, %shift_left3A_631 : vector<16xi32>
        %bitcast_convert_type3A_633 = tpu.bitcast %shift_left3A_632 : vector<16xi32> -> vector<16xf32>
        %and3A_634 = arith.constant -65536 : i32
        %and3A_635 = vector.broadcast %and3A_634 : i32 to vector<16xi32>
        %and3A_636 = arith.andi %get3A_629, %and3A_635 : vector<16xi32>
        %bitcast_convert_type3A_637 = tpu.bitcast %and3A_636 : vector<16xi32> -> vector<16xf32>
        %add3A_638 = arith.addf %sub3A_513, %bitcast_convert_type3A_633 : vector<16xf32>
        %mul3A_639 = arith.mulf %add3A_554, %bitcast_convert_type3A_498 : vector<16xf32>
        %sub3A_640 = arith.subf %add3A_638, %mul3A_639 : vector<16xf32>
        %abs3A_641 = math.absf %sub3A_640 : vector<16xf32>
        %add3A_642 = arith.addf %add3A_624, %abs3A_641 : vector<16xf32>
        %add3A_643 = arith.addf %sub3A_526, %bitcast_convert_type3A_637 : vector<16xf32>
        %mul3A_644 = arith.mulf %add3A_554, %bitcast_convert_type3A_502 : vector<16xf32>
        %sub3A_645 = arith.subf %add3A_643, %mul3A_644 : vector<16xf32>
        %abs3A_646 = math.absf %sub3A_645 : vector<16xf32>
        %add3A_647 = arith.addf %add3A_642, %abs3A_646 : vector<16xf32>
        %xor3A_648 = arith.constant 8 : i32
        %xor3A_649 = vector.broadcast %xor3A_648 : i32 to vector<16xi32>
        %xor3A_650 = arith.xori %iota3A, %xor3A_649 : vector<16xi32>
        %broadcast_in_dim3A_651 = vector.shape_cast %xor3A_650 : vector<16xi32> to vector<16x1xi32>
        %gather3A_652 = vector.shape_cast %broadcast_in_dim3A_651 : vector<16x1xi32> to vector<16xi32>
        %gather3A_653 = tpu.dynamic_gather %add3A_647[%gather3A_652] in [0] : vector<16xf32>, vector<16xi32> -> vector<16xf32>
        %add3A_654 = arith.addf %add3A_647, %gather3A_653 : vector<16xf32>
        %xor3A_655 = arith.constant 4 : i32
        %xor3A_656 = vector.broadcast %xor3A_655 : i32 to vector<16xi32>
        %xor3A_657 = arith.xori %iota3A, %xor3A_656 : vector<16xi32>
        %broadcast_in_dim3A_658 = vector.shape_cast %xor3A_657 : vector<16xi32> to vector<16x1xi32>
        %gather3A_659 = vector.shape_cast %broadcast_in_dim3A_658 : vector<16x1xi32> to vector<16xi32>
        %gather3A_660 = tpu.dynamic_gather %add3A_654[%gather3A_659] in [0] : vector<16xf32>, vector<16xi32> -> vector<16xf32>
        %add3A_661 = arith.addf %add3A_654, %gather3A_660 : vector<16xf32>
        %xor3A_662 = arith.constant 2 : i32
        %xor3A_663 = vector.broadcast %xor3A_662 : i32 to vector<16xi32>
        %xor3A_664 = arith.xori %iota3A, %xor3A_663 : vector<16xi32>
        %broadcast_in_dim3A_665 = vector.shape_cast %xor3A_664 : vector<16xi32> to vector<16x1xi32>
        %gather3A_666 = vector.shape_cast %broadcast_in_dim3A_665 : vector<16x1xi32> to vector<16xi32>
        %gather3A_667 = tpu.dynamic_gather %add3A_661[%gather3A_666] in [0] : vector<16xf32>, vector<16xi32> -> vector<16xf32>
        %add3A_668 = arith.addf %add3A_661, %gather3A_667 : vector<16xf32>
        %xor3A_669 = arith.constant 1 : i32
        %xor3A_670 = vector.broadcast %xor3A_669 : i32 to vector<16xi32>
        %xor3A_671 = arith.xori %iota3A, %xor3A_670 : vector<16xi32>
        %broadcast_in_dim3A_672 = vector.shape_cast %xor3A_671 : vector<16xi32> to vector<16x1xi32>
        %gather3A_673 = vector.shape_cast %broadcast_in_dim3A_672 : vector<16x1xi32> to vector<16xi32>
        %gather3A_674 = tpu.dynamic_gather %add3A_668[%gather3A_673] in [0] : vector<16xf32>, vector<16xi32> -> vector<16xf32>
        %add3A_675 = arith.addf %add3A_668, %gather3A_674 : vector<16xf32>
        %eq3A = vector.broadcast %scan3A_370 : i32 to vector<16xi32>
        %eq3A_676 = arith.cmpi eq, %iota3A, %eq3A : vector<16xi32>
        %select_n3A = arith.select %eq3A_676, %add3A_675, %scan3A_371 : vector<16xi1>, vector<16xf32>
        scf.yield %select_n3A : vector<16xf32>
      }
      %scan3A_359 = arith.constant 16 : i32
      %mul3A_360 = arith.constant 16 : i32
      %mul3A_361 = arith.muli %add3A_312, %mul3A_360 : i32
      %mul3A_362 = arith.constant 16 : i32
      %mul3A_363 = arith.muli %scan3A_352, %mul3A_362 : i32
      %add3A_364 = arith.addi %mul3A_361, %mul3A_363 : i32
      %swap3A = arith.index_cast %add3A_364 : i32 to index
      %swap3A_365 = tpu.vector_load %arg14[%swap3A] {strides = array<i32>} : memref<512xf32, #tpu.memory_space<vmem>>, vector<16xf32>,
      %swap3A_366 = vector.shape_cast %swap3A_365 : vector<16xf32> to vector<16xf32>
      %swap3A_367 = vector.shape_cast %scan3A_358 : vector<16xf32> to vector<16xf32>
      tpu.vector_store %arg14[%swap3A], %swap3A_367 {strides = array<i32>} : memref<512xf32, #tpu.memory_space<vmem>>, vector<16xf32>,
      %scan3A_368 = arith.constant 0 : i32
      %scan3A_369 = arith.constant 1 : i32
    }
    %scan3A_307 = arith.constant 32 : i32
    "tpu.region"() ({
      %run_scoped3A = tpu.sem_alloc : memref<!tpu.dma_semaphore, #tpu.memory_space<semaphore_mem>>
      %dma_start3A_308 = tpu.memref_slice %arg7[%mul3A_2] : memref<16384xf32, #tpu.memory_space<hbm>> -> memref<512xf32, #tpu.memory_space<hbm>>
      %dma_start3A_309 = tpu.memref_slice %arg7[%mul3A_2] : memref<16384xf32, #tpu.memory_space<hbm>> -> memref<512xf32, #tpu.memory_space<hbm>>
      tpu.enqueue_dma source(%arg14 : memref<512xf32, #tpu.memory_space<vmem>>) target(%dma_start3A_309 : memref<512xf32, #tpu.memory_space<hbm>>) target_semaphore(%run_scoped3A : memref<!tpu.dma_semaphore, #tpu.memory_space<semaphore_mem>>)
      %dma_wait3A_310 = tpu.memref_slice %arg7[%mul3A_2] : memref<16384xf32, #tpu.memory_space<hbm>> -> memref<512xf32, #tpu.memory_space<hbm>>
      %dma_wait3A_311 = tpu.memref_slice %arg7[%mul3A_2] : memref<16384xf32, #tpu.memory_space<hbm>> -> memref<512xf32, #tpu.memory_space<hbm>>
      tpu.wait_dma2 semaphore(%run_scoped3A : memref<!tpu.dma_semaphore, #tpu.memory_space<semaphore_mem>>) src(%arg14 : memref<512xf32, #tpu.memory_space<vmem>>) dst(%dma_wait3A_311 : memref<512xf32, #tpu.memory_space<hbm>>)
      tpu.yield
    }) : () -> ()
    return
  }
}

</mosaic_0001>

<sc_bundles>
// kernel: kernel.3.cloned.1.call-start
scs
__scs_entry_jumppad:
0x0: {  	(pc) =	sbr.rel $0x88, $3  }
0x1: {  	(tag) =	ssettag $0x0;
	lr =	simm.s32 $0x1  }
0x2: {  	[smem:$0x3F9B] =	sst lr;
	_ =	strace $0xD0000000  }
0x3: {  	_ = 	snop  }
0x4: {  	_ = 	snop  }
0x5: {  	_ = 	snop  }
0x6: {  	_ = 	snop  }
0x7: {  	_ = 	snop  }
__scs_overlays_trampoline_lowered:
0x8: {  	[smem:$0x3FAA] =	sst s0  }
0x9: {  	[smem:$0x3FAB] =	sst s1  }
0xa: {  	[smem:$0x3FAC] =	sst s2  }
0xb: {  	[smem:$0x3FAD] =	sst s3  }
0xc: {  	[smem:$0x3FAE] =	sst s4  }
0xd: {  	[smem:$0x3FAF] =	sst s5  }
0xe: {  	[smem:$0x3FB0] =	sst s6  }
0xf: {  	[smem:$0x3FB1] =	sst s7  }
0x10: {  	[smem:$0x3FB2] =	sst s8  }
0x11: {  	[smem:$0x3FB3] =	sst s9;
	s0 =	simm.s32 @!p0 $0x0  }
0x12: {  	s1 =	sld [smem:$0x3F99];
	s0 =	simm.s32 @p0 $0x1  }
0x13: {  	[smem:$0x3FB4] =	sst s0;
	s0 =	simm.s32 @!p1 $0x0  }
0x14: {  	s2 =	sld [smem:$0x3F98];
	s0 =	simm.s32 @p1 $0x1  }
0x15: {  	[smem:$0x3FB5] =	sst s0;
	s0 =	simm.s32 @!p2 $0x0  }
0x16: {  	s3 =	sld [smem:$0x3FDB];
	s0 =	simm.s32 @p2 $0x1  }
0x17: {  	s4 =	simm.s32 $0x1BF5;
	[smem:$0x3FB7] =	sst s0  }
0x18: {  	s0 =	sld [smem:$0x3F9A];
	_ =	swait.ge [sflag:s4], $0x0  }
0x19: {  	s7 =	sld [smem:$0x3F9B]  }
0x1a: {  	s8 =	sadd.s32 $0xFFFFE003, lr  }
0x1b: {  	s9 =	sadd.s32 $0xFFFFFEF7, lr;
	s5 =	simm.s32 $0xFFFFFFFF;
	p2 =	slt.u32 s8, $0xFFFFF086  }
0x1c: {  	p1 =	slt.u32 s9, $0xF7A;
	s5 =	simm.s32 @!p2 $0x0  }
0x1d: {  	s5 =	simm.s32 @p1 $0x1;
	p0 =	seq.s32 s7, s2  }
0x1e: {  	s7 =	smul.u32 @!p0 $0xF7A, s2;
	p2 =	seq.s32 @!p0 s5, $0x0  }
0x1f: {  	s9 =	smul.u32 $0xF7A, s1;
	s8 =	simm.s32 @!p0 $0x1BF5;
	p2 =	por !p2, p0  }
0x20: {  	[sflag:s8] =	ssyncset.s32 @!p0 $0xFFFFF086;
	s6 =	sadd.s32 @!p0 s3, s7;
	s7 =	simm.s32 @!p0 $0x108  }
0x21: {  	s3 =	sadd.s32 s3, s9;
	s6 =	sadd.s32 @!p0 $0x88, s6;
	s7 =	simm.s32 @p2 $0x1082  }
0x22: {  	[simem:s7], [sflag:s8] =	dma.local @!p0 [hbm:s6], $0xF7A  }
0x23: {  	s9 =	sor.u32 $0xD0000000, s2;
	s6 =	simm.s32 $0x108;
	_ =	swait.ge @!p0 [sflag:s8], $0x0  }
0x24: {  	s3 =	sadd.s32 $0x88, s3;
	s6 =	simm.s32 @!p1 $0x1082;
	[sflag:s4] =	ssyncset.s32 $0xFFFFF086  }
0x25: {  	[simem:s6], [sflag:s4] =	dma.local [hbm:s3], $0xF7A  }
0x26: {  	[smem:$0x3F9B] =	sst s1;
	(tag) =	ssettag s2;
	_ =	strace s9  }
0x27: {  	s1 =	sld [smem:$0x3FAB]  }
0x28: {  	s2 =	sld [smem:$0x3FAC]  }
0x29: {  	s4 =	sld [smem:$0x3FAE]  }
0x2a: {  	p0 =	seq.s32 s5, $0x0;
	s5 =	sld [smem:$0x3FAF]  }
0x2b: {  	s6 =	sld [smem:$0x3FB0]  }
0x2c: {  	s7 =	sld [smem:$0x3FB1]  }
0x2d: {  	s3 =	simm.s32 $0x108;
	s8 =	sld [smem:$0x3FB2]  }
0x2e: {  	s3 =	simm.s32 @!p0 $0x1082;
	s9 =	sld [smem:$0x3FB3]  }
0x2f: {  	lr =	sadd.s32 s0, s3;
	s0 =	sld [smem:$0x3FAA]  }
0x30: {  	s3 =	sld [smem:$0x3FAD]  }
0x31: {  	[smem:$0x3FB6] =	sst s10  }
0x32: {  	s10 =	sld [smem:$0x3FB4];
	_ =	sdelay $0x3  }
0x33: {  	p0 =	seq.s32 s10, $0x1;
	s10 =	sld [smem:$0x3FB6];
	_ =	sdelay $0x3  }
0x34: {  	[smem:$0x3FB6] =	sst s10  }
0x35: {  	s10 =	sld [smem:$0x3FB5];
	_ =	sdelay $0x3  }
0x36: {  	p1 =	seq.s32 s10, $0x1;
	s10 =	sld [smem:$0x3FB6];
	_ =	sdelay $0x3  }
0x37: {  	[smem:$0x3FB6] =	sst s10  }
0x38: {  	s10 =	sld [smem:$0x3FB7]  }
0x39: {  	_ = 	snop;
	(pc) =	sbr.ind lr, $3  }
0x3a: {  	_ = 	snop  }
0x3b: {  	_ = 	snop  }
0x3c: {  	p2 =	seq.s32 s10, $0x1;
	s10 =	sld [smem:$0x3FB6]  }
0x3d: {  	_ =	shalt  }
0x3e: {  	_ =	shalt  }
0x3f: {  	_ =	shalt  }
0x40: {  	_ =	shalt  }
0x41: {  	_ =	shalt  }
0x42: {  	_ =	shalt  }
0x43: {  	_ =	shalt  }
0x44: {  	_ =	shalt  }
0x45: {  	_ =	shalt  }
0x46: {  	_ =	shalt  }
0x47: {  	_ =	shalt  }
0x48: {  	_ =	shalt  }
0x49: {  	_ =	shalt  }
0x4a: {  	_ =	shalt  }
0x4b: {  	_ =	shalt  }
0x4c: {  	_ =	shalt  }
0x4d: {  	_ =	shalt  }
0x4e: {  	_ =	shalt  }
0x4f: {  	_ =	shalt  }
0x50: {  	_ =	shalt  }
0x51: {  	_ =	shalt  }
0x52: {  	_ =	shalt  }
0x53: {  	_ =	shalt  }
0x54: {  	_ =	shalt  }
0x55: {  	_ =	shalt  }
0x56: {  	_ =	shalt  }
0x57: {  	_ =	shalt  }
0x58: {  	_ =	shalt  }
0x59: {  	_ =	shalt  }
0x5a: {  	_ =	shalt  }
0x5b: {  	_ =	shalt  }
0x5c: {  	_ =	shalt  }
0x5d: {  	_ =	shalt  }
0x5e: {  	_ =	shalt  }
0x5f: {  	_ =	shalt  }
0x60: {  	_ =	shalt  }
0x61: {  	_ =	shalt  }
0x62: {  	_ =	shalt  }
0x63: {  	_ =	shalt  }
0x64: {  	_ =	shalt  }
0x65: {  	_ =	shalt  }
0x66: {  	_ =	shalt  }
0x67: {  	_ =	shalt  }
0x68: {  	_ =	shalt  }
0x69: {  	_ =	shalt  }
0x6a: {  	_ =	shalt  }
0x6b: {  	_ =	shalt  }
0x6c: {  	_ =	shalt  }
0x6d: {  	_ =	shalt  }
0x6e: {  	_ =	shalt  }
0x6f: {  	_ =	shalt  }
0x70: {  	_ =	shalt  }
0x71: {  	_ =	shalt  }
0x72: {  	_ =	shalt  }
0x73: {  	_ =	shalt  }
0x74: {  	_ =	shalt  }
0x75: {  	_ =	shalt  }
0x76: {  	_ =	shalt  }
0x77: {  	_ =	shalt  }
0x78: {  	_ =	shalt  }
0x79: {  	_ =	shalt  }
0x7a: {  	_ =	shalt  }
0x7b: {  	_ =	shalt  }
0x7c: {  	_ =	shalt  }
0x7d: {  	_ =	shalt  }
0x7e: {  	_ =	shalt  }
0x7f: {  	_ =	shalt  }
0x80: {  	_ =	shalt  }
0x81: {  	_ =	shalt  }
0x82: {  	_ =	shalt  }
0x83: {  	_ =	shalt  }
0x84: {  	_ =	shalt  }
0x85: {  	_ =	shalt  }
0x86: {  	_ =	shalt  }
0x87: {  	_ =	shalt  }
.Lfunc_end0:
.L_simem_size_0:
called_computation_lowered:
.L_overlay_start_0:
0x88: {  	s2 =	sld [smem:$0x3FD9]  }
0x89: {  	s3 =	sld [smem:$0x3FFE];
	_ =	sdelay $0x1  }
0x8a: {  	s1 =	srdreg.scid  }
0x8b: {  	s0 =	sand.u32 $0x1, s1  }
0x8c: {  	s17 =	sshll.u32 s0, $0xA;
	s2 =	sadd.s32 s3, s2  }
0x8d: {  	s2 =	sadd.s32 s2, s17  }
0x8e: {  	[smem:$0x3FC2] =	sst s2  }
0x8f: {  	_ = 	snop  }
0x90: {  	s2 =	sld [smem:$0x3FC9]  }
0x91: {  	s18 =	sld [smem:$0x3FC8]  }
0x92: {  	s4 =	sld [smem:$0x3FC7]  }
0x93: {  	s5 =	sld [smem:$0x3FC6]  }
0x94: {  	s6 =	sld [smem:$0x3FD0];
	(tm) =	ssettm $0x1  }
0x95: {  	s7 =	sld [smem:$0x3FFB];
	_ =	sdelay $0x3  }
0x96: {  	_ =	strace s7  }
0x97: {  	s7 =	sld [smem:$0x3FFC];
	_ =	sdelay $0x3  }
0x98: {  	_ =	strace s7  }
0x99: {  	s7 =	sld [smem:$0x3FFD];
	_ =	sdelay $0x3  }
0x9a: {  	_ =	strace s7  }
0x9b: {  	_ =	strace $0x8FFFFFFF  }
0x9c: {  	s19 =	sld [smem:$0x3FDB];
	_ =	sdelay $0x1  }
0x9d: {  	s8 =	simm.s32 $_scs_section_size  }
0x9e: {  	s9 =	simm.s32 $_size__tile_overlayer_lowered;
	s10 =	simm.s32 $_tile_overlayer_lowered  }
0x9f: {  	s22 =	simm.s32 $0x1BFF;
	s21 =	sshll.u32 s10, $0x1;
	s7 =	sadd.s32 s8, s19  }
0xa0: {  	s11 =	simm.s32 $0x0;
	s20 =	sshll.u32 s9, $0x1;
	s9 =	sadd.s32 s21, s7  }
0xa1: {  	[timem:s11], [sflag:s22] =	dma.local [hbm:s9], s20  }
0xa2: {  	_ =	swait.ge [sflag:s22], s20  }
0xa3: {  	s8 =	ssub.s32 $0x0, s20;
	[sflag:s22] =	ssyncset.done $0x0  }
0xa4: {  	[sflag:s22] =	ssyncadd.s32 s8;
	_ =	sdelay $0x1  }
0xa5: {  	s23 =	simm.s32 $0x1B8B  }
0xa6: {  	_ =	swait.ge [sflag:s23], $0x1  }
0xa7: {  	[sflag:s23] =	ssyncset.done $0x0  }
0xa8: {  	s25 =	simm.s32 $0x1B8E;
	s24 =	sld [smem:$0x3FFE];
	[sflag:s23] =	ssyncadd.s32 $0xFFFFFFFF  }
0xa9: {  	s26 =	simm.s32 $execute0_lowered;
	[smem:$0x3FD2] =	sst s25  }
0xaa: {  	s9 =	sshll.u32 s26, $0x1;
	_ =	strace $0x80000046;
	[dreg:$0x1] =	wrdreg $0xFFFFFFFF  }
0xab: {  	s28 =	simm.s32 $_size_execute0_lowered;
	s7 =	sadd.s32 s7, s9;
	[dreg:$0x0] =	wrdreg $0x0  }
0xac: {  	s9 =	sshll.u32 s28, $0x1;
	[dreg:$0x2] =	wrdreg s7  }
0xad: {  	[dreg:$0x3] =	wrdreg s9  }
0xae: {  	[dreg:$0x4] =	wrdreg $0xC0  }
0xaf: {  	_ =	task [dreg:s11], $0x5FFFF  }
0xb0: {  	[dreg:$0x1] =	wrdreg $0xFFFFFFFF  }
0xb1: {  	[dreg:$0x0] =	wrdreg $0x60  }
0xb2: {  	[dreg:$0x2] =	wrdreg s2  }
0xb3: {  	[dreg:$0x3] =	wrdreg s18  }
0xb4: {  	[dreg:$0x4] =	wrdreg s4  }
0xb5: {  	[dreg:$0x5] =	wrdreg s5  }
0xb6: {  	[dreg:$0x6] =	wrdreg s24  }
0xb7: {  	[dreg:$0x7] =	wrdreg s6  }
0xb8: {  	[dreg:$0x8] =	wrdreg $0x9  }
0xb9: {  	_ =	task.clear_ibuf [dreg:s11], $0x9FFFF;
	_ =	strace $0x90000046  }
0xba: {  	s29 =	simm.s32 $0x9;
	_ =	strace $0x80000048  }
0xbb: {  	_ =	swait.ge [sflag:s29], $0x1  }
0xbc: {  	[sflag:s29] =	ssyncadd.s32 $0xFFFFFFFF  }
0xbd: {  	_ =	strace $0x90000048  }
0xbe: {  	_ =	sfence  }
0xbf: {  	s30 =	sld [smem:$0x0];
	_ =	sdelay $0x2  }
0xc0: {  	s31 =	sshll.u32 s1, $0xD;
	s1 =	sshrl.u32 s1, $0x2  }
0xc1: {  	s3 =	sand.u32 $0x4000, s31;
	s1 =	sadd.s32 s1, s30  }
0xc2: {  	s0 =	sor.u32 s3, s0;
	s1 =	sshll.u32 s1, $0x11  }
0xc3: {  	s0 =	sor.u32 s1, s0  }
0xc4: {  	s0 =	sadd.s32 $0x8F2B, s0  }
0xc5: {  	[sflag:s0] =	ssyncadd.remote.s32 $0x1  }
0xc6: {  	_ =	sfence.sel $0xFFFF  }
0xc7: {  	[dreg:$0x0] =	wrdreg $0xFFFFFFFF;
	(pc) =	sbr.abs _section_cstart, $3  }
0xc8: {  	[dreg:$0x1] =	wrdreg $0xFFFFFFFF  }
0xc9: {  	_ =	task.clear_ibuf [dreg:s11], $0x2FFFF;
	_ =	strace $0x9FFFFFFF  }
0xca: {  	(tm) =	ssettm $0x7FFFFFFF  }
0xcb: {  	_ =	shalt  }
tec
execute0_lowered:
.L_overlay_start_1:
0x0: {  	(tag) =	ssettag $0x1  }
0x1: {  	s0 =	rddreg [dreg:$0x0]  }
0x2: {  	s3 =	rddreg [dreg:$0x1]  }
0x3: {  	s7 =	rddreg [dreg:$0x2]  }
0x4: {  	s1 =	rddreg [dreg:$0x3]  }
0x5: {  	s2 =	rddreg [dreg:$0x4];
	s11 =	simm.s32 $0x400;
	s12 =	simm.s32 $0x9;
	v0 =	vimm.s32 $0xFEDCBA98;
	v1 =	vimm.s32 $0x76543210  }
0x6: {  	s8 =	rddreg [dreg:$0x5];
	v2 =	vimm.s32 $0xBA98FEDC;
	v3 =	vimm.s32 $0x32107654;
	v4 =	vimm.s32 $0xDCFE98BA  }
0x7: {  	s4 =	simm.s32 $0x0;
	s5 =	srdreg.scid;
	s9 =	stileid.u32;
	v5 =	vimm.s32 $0x54761032;
	v6 =	vimm.s32 $0xEFCDAB89;
	v7 =	vimm.s32 $0x67452301  }
0x8: {  	s13 =	simm.s32 $0x10;
	s25 =	simm.s32 $0x450;
	s26 =	simm.s32 $0xAE00;
	v0 =	vunpack.c.l.s4.s8 v0;
	v1 =	vunpack.c.l.s4.s8 v1;
	v2 =	vunpack.c.l.s4.s8 v2  }
0x9: {  	s28 =	simm.s32 $0x60;
	s29 =	simm.s32 $0x3600;
	s30 =	simm.s32 $0x260;
	v3 =	vunpack.c.l.s4.s8 v3;
	v4 =	vunpack.c.l.s4.s8 v4;
	v5 =	vunpack.c.l.s4.s8 v5  }
0xa: {  	s31 =	simm.s32 $0x7600;
	s14 =	simm.s32 $0xC600;
	s15 =	simm.s32 $0xA;
	v6 =	vunpack.c.l.s4.s8 v6;
	v7 =	vunpack.c.l.s4.s8 v7;
	v0 =	vunpack.c.0.s8.s32 v0  }
0xb: {  	s16 =	simm.s32 $0x0;
	[smem:$0x7FF] =	sst s4;
	s5 =	sand.u32 $0x1, s5;
	v2 =	vunpack.c.0.s8.s32 v2;
	v3 =	vunpack.c.0.s8.s32 v3;
	v4 =	vunpack.c.0.s8.s32 v4  }
0xc: {  	s9 =	sshll.u32 s9, $0x7;
	s6 =	ssub.s32 $0x2, s5;
	s5 =	sshll.u32 s5, $0x6;
	v5 =	vunpack.c.0.s8.s32 v5;
	v6 =	vunpack.c.0.s8.s32 v6;
	v7 =	vunpack.c.0.s8.s32 v7  }
0xd: {  	_ =	strace $0x80000047;
	s10 =	sshrl.u32 s6, $0x1;
	s9 =	sor.u32 s5, s9;
	v1 =	vunpack.c.0.s8.s32 v1;
	v2 =	vcombine.low v3, v2  }
0xe: {  	s10 =	ssub.s32 s6, s10;
	s5 =	sadd.s32 s0, s9;
	s6 =	sadd.s32 s3, s9;
	v3 =	vcombine.low v5, v4;
	v4 =	vcombine.low v7, v6;
	v0 =	vand.u32 $0xF, v0  }
0xf: {  	s7 =	sadd.s32 s7, s9;
	s8 =	sadd.s32 s8, s9;
	s0 =	simm.s32 $0x460;
	v0 =	vcombine.low v0, v1;
	v1 =	vand.u32 $0xF, v2  }
0x10: {  	s3 =	simm.s32 $0xB600;
	s9 =	smax.u32 s10, $0x1;
	s10 =	simm.s32 $0x200;
	v2 =	vand.u32 $0xF, v3;
	v3 =	vand.u32 $0xF, v4;
	v4 =	vlaneseq.u32  }
.LBB2_1:
0x11: {  	[tilespmem:s4], [sflag:$0x9] =	stream.linear.gather [hbm4b:s5+s4], $0x200, $0x38;
	[tilespmem:$0xC800] =	vst v63  }
0x12: {  	_ = 	snop  }
0x13: {  	[tilespmem:s10], [sflag:$0x9] =	stream.linear.gather [hbm4b:s6+s4], $0x200, $0x38;
	[tilespmem:$0xC800] =	vst v63  }
0x14: {  	_ = 	snop  }
0x15: {  	[tilespmem:s11], [sflag:$0x9] =	stream.linear.gather [hbm4b:s7+s4], $0x200, $0x38;
	[tilespmem:$0xC800] =	vst v63  }
0x16: {  	_ =	swait.ge [sflag:s12], $0x200  }
0x17: {  	[sflag:s12] =	ssyncset.done $0x0  }
0x18: {  	[sflag:s12] =	ssyncadd.s32 $0xFFFFFE00  }
0x19: {  	_ =	swait.ge [sflag:s12], $0x200  }
0x1a: {  	[sflag:s12] =	ssyncset.done $0x0  }
0x1b: {  	[sflag:s12] =	ssyncadd.s32 $0xFFFFFE00  }
0x1c: {  	_ =	swait.ge [sflag:s12], $0x200  }
0x1d: {  	[sflag:s12] =	ssyncset.done $0x0  }
0x1e: {  	s17 =	simm.s32 $0x600;
	[sflag:s12] =	ssyncadd.s32 $0xFFFFFE00  }
0x1f: {  	[tilespmem:s17], [sflag:$0x1] =	stream.indirect.gather [hbm4b:s1+s13], $0x80, s4, s13, $0xb8;
	[tilespmem:$0xC800] =	vst v63  }
0x20: {  	s21 =	simm.s32 $0x4600  }
0x21: {  	[tilespmem:s21], [sflag:$0x1] =	stream.indirect.gather [hbm4b:s1+s13], $0x80, s10, s13, $0xb8;
	[tilespmem:$0xC800] =	vst v63  }
0x22: {  	s22 =	simm.s32 $0x8600  }
0x23: {  	[tilespmem:s22], [sflag:$0x1] =	stream.indirect.gather [hbm4b:s2+s13], $0x80, s11, s13, $0xb8;
	[tilespmem:$0xC800] =	vst v63  }
0x24: {  	s23 =	simm.s32 $0xE00  }
0x25: {  	[tilespmem:s23], [sflag:$0x2] =	stream.indirect.gather [hbm4b:s1+s13], $0x80, s13, s13, $0xb8;
	[tilespmem:$0xC800] =	vst v63  }
0x26: {  	s24 =	simm.s32 $0x210;
	s18 =	simm.s32 $0x4E00  }
0x27: {  	[tilespmem:s18], [sflag:$0x2] =	stream.indirect.gather [hbm4b:s1+s13], $0x80, s24, s13, $0xb8;
	[tilespmem:$0xC800] =	vst v63  }
0x28: {  	s19 =	simm.s32 $0x410;
	s20 =	simm.s32 $0x8E00  }
0x29: {  	[tilespmem:s20], [sflag:$0x2] =	stream.indirect.gather [hbm4b:s2+s13], $0x80, s19, s13, $0xb8;
	[tilespmem:$0xC800] =	vst v63  }
0x2a: {  	s21 =	simm.s32 $0x1600;
	s22 =	simm.s32 $0x20  }
0x2b: {  	[tilespmem:s21], [sflag:$0x3] =	stream.indirect.gather [hbm4b:s1+s13], $0x80, s22, s13, $0xb8;
	[tilespmem:$0xC800] =	vst v63  }
0x2c: {  	s23 =	simm.s32 $0x220;
	s24 =	simm.s32 $0x5600  }
0x2d: {  	[tilespmem:s24], [sflag:$0x3] =	stream.indirect.gather [hbm4b:s1+s13], $0x80, s23, s13, $0xb8;
	[tilespmem:$0xC800] =	vst v63  }
0x2e: {  	s19 =	simm.s32 $0x420;
	s20 =	simm.s32 $0x9600  }
0x2f: {  	[tilespmem:s20], [sflag:$0x3] =	stream.indirect.gather [hbm4b:s2+s13], $0x80, s19, s13, $0xb8;
	[tilespmem:$0xC800] =	vst v63  }
0x30: {  	s21 =	simm.s32 $0x30;
	s22 =	simm.s32 $0x1E00  }
0x31: {  	[tilespmem:s22], [sflag:$0x4] =	stream.indirect.gather [hbm4b:s1+s13], $0x80, s21, s13, $0xb8;
	[tilespmem:$0xC800] =	vst v63  }
0x32: {  	s23 =	simm.s32 $0x230;
	s24 =	simm.s32 $0x5E00  }
0x33: {  	[tilespmem:s24], [sflag:$0x4] =	stream.indirect.gather [hbm4b:s1+s13], $0x80, s23, s13, $0xb8;
	[tilespmem:$0xC800] =	vst v63  }
0x34: {  	s19 =	simm.s32 $0x430;
	s20 =	simm.s32 $0x9E00  }
0x35: {  	[tilespmem:s20], [sflag:$0x4] =	stream.indirect.gather [hbm4b:s2+s13], $0x80, s19, s13, $0xb8;
	[tilespmem:$0xC800] =	vst v63  }
0x36: {  	s21 =	simm.s32 $0x40;
	s22 =	simm.s32 $0x2600  }
0x37: {  	[tilespmem:s22], [sflag:$0x5] =	stream.indirect.gather [hbm4b:s1+s13], $0x80, s21, s13, $0xb8;
	[tilespmem:$0xC800] =	vst v63  }
0x38: {  	s23 =	simm.s32 $0x240;
	s24 =	simm.s32 $0x6600  }
0x39: {  	[tilespmem:s24], [sflag:$0x5] =	stream.indirect.gather [hbm4b:s1+s13], $0x80, s23, s13, $0xb8;
	[tilespmem:$0xC800] =	vst v63  }
0x3a: {  	s19 =	simm.s32 $0x440;
	s20 =	simm.s32 $0xA600  }
0x3b: {  	[tilespmem:s20], [sflag:$0x5] =	stream.indirect.gather [hbm4b:s2+s13], $0x80, s19, s13, $0xb8;
	[tilespmem:$0xC800] =	vst v63  }
0x3c: {  	s21 =	simm.s32 $0x50;
	s22 =	simm.s32 $0x2E00  }
0x3d: {  	[tilespmem:s22], [sflag:$0x6] =	stream.indirect.gather [hbm4b:s1+s13], $0x80, s21, s13, $0xb8;
	[tilespmem:$0xC800] =	vst v63  }
0x3e: {  	s23 =	simm.s32 $0x250;
	s24 =	simm.s32 $0x6E00  }
0x3f: {  	[tilespmem:s24], [sflag:$0x6] =	stream.indirect.gather [hbm4b:s1+s13], $0x80, s23, s13, $0xb8;
	[tilespmem:$0xC800] =	vst v63  }
0x40: {  	_ = 	snop  }
0x41: {  	[tilespmem:s26], [sflag:$0x6] =	stream.indirect.gather [hbm4b:s2+s13], $0x80, s25, s13, $0xb8;
	[tilespmem:$0xC800] =	vst v63  }
0x42: {  	_ = 	snop  }
0x43: {  	[tilespmem:s29], [sflag:$0x7] =	stream.indirect.gather [hbm4b:s1+s13], $0x80, s28, s13, $0xb8;
	[tilespmem:$0xC800] =	vst v63  }
0x44: {  	_ = 	snop  }
0x45: {  	[tilespmem:s31], [sflag:$0x7] =	stream.indirect.gather [hbm4b:s1+s13], $0x80, s30, s13, $0xb8;
	[tilespmem:$0xC800] =	vst v63  }
0x46: {  	s17 =	simm.s32 $0x0;
	s18 =	simm.s32 $0x0  }
0x47: {  	[tilespmem:s3], [sflag:$0x7] =	stream.indirect.gather [hbm4b:s2+s13], $0x80, s0, s13, $0xb8;
	[tilespmem:$0xC800] =	vst v63  }
.LBB2_2:
0x48: {  	p0 =	sgt.u32 s18, $0x18  }
0x49: {  	s19 =	sadd.s32 @!p0 $0x7, s18  }
0x4a: {  	s20 =	sand.u32 @!p0 $0x7, s19  }
0x4b: {  	s23 =	simm.s32 @!p0 $0x10;
	s21 =	sshll.u32 @!p0 s20, $0xB  }
0x4c: {  	s19 =	sshll.u32 @!p0 s19, $0x4;
	s20 =	sadd.s32 @!p0 $0x1, s20;
	s22 =	sor.u32 @!p0 $0x600, s21  }
0x4d: {  	[tilespmem:s22], [sflag:s20] =	stream.indirect.gather @!p0 [hbm4b:s1+s23], $0x80, s19, s23, $0xb8;
	[tilespmem:$0xC800] =	vst v63  }
0x4e: {  	s24 =	sadd.s32 @!p0 $0x200, s19;
	s22 =	sor.u32 @!p0 $0x4600, s21  }
0x4f: {  	[tilespmem:s22], [sflag:s20] =	stream.indirect.gather @!p0 [hbm4b:s1+s23], $0x80, s24, s23, $0xb8;
	[tilespmem:$0xC800] =	vst v63  }
0x50: {  	s21 =	sor.u32 @!p0 $0x8600, s21;
	s19 =	sadd.s32 @!p0 $0x400, s19;
	s24 =	sand.u32 $0x7, s18  }
0x51: {  	[tilespmem:s21], [sflag:s20] =	stream.indirect.gather @!p0 [hbm4b:s2+s23], $0x80, s19, s23, $0xb8;
	[tilespmem:$0xC800] =	vst v63  }
0x52: {  	s21 =	sadd.s32 $0x1, s24  }
0x53: {  	_ =	swait.ge [sflag:s21], $0x800  }
0x54: {  	[sflag:s21] =	ssyncset.done $0x0  }
0x55: {  	[sflag:s21] =	ssyncadd.s32 $0xFFFFF800  }
0x56: {  	_ =	swait.ge [sflag:s21], $0x800  }
0x57: {  	[sflag:s21] =	ssyncset.done $0x0  }
0x58: {  	[sflag:s21] =	ssyncadd.s32 $0xFFFFF800  }
0x59: {  	s22 =	sshll.u32 s17, $0xB;
	_ =	swait.ge [sflag:s21], $0x800  }
0x5a: {  	s20 =	sand.u32 $0x3800, s22;
	[sflag:s21] =	ssyncset.done $0x0  }
0x5b: {  	s23 =	sor.u32 $0x640, s20;
	[sflag:s21] =	ssyncadd.s32 $0xFFFFF800  }
0x5c: {  	s24 =	sor.u32 $0x4640, s20;
	v5 =	vld [tilespmem:s23+$0x30]  }
0x5d: {  	v6 =	vld [tilespmem:s24+$0x30]  }
0x5e: {  	v10 =	vld [tilespmem:s23+$0x10]  }
0x5f: {  	v12 =	vld [tilespmem:s23+$0xFFFFFFF0]  }
0x60: {  	v13 =	vld [tilespmem:s23+$0xFFFFFFD0]  }
0x61: {  	v14 =	vld [tilespmem:s23+$0xFFFFFFC0]  }
0x62: {  	s20 =	sor.u32 $0x8640, s20;
	v15 =	vld [tilespmem:s24+$0xFFFFFFC0]  }
0x63: {  	v16 =	vld [tilespmem:s20+$0x0]  }
0x64: {  	v17 =	vld [tilespmem:s24+$0xFFFFFFD0]  }
0x65: {  	v18 =	vld [tilespmem:s23+$0xFFFFFFE0]  }
0x66: {  	v19 =	vld [tilespmem:s24+$0xFFFFFFE0]  }
0x67: {  	v20 =	vld [tilespmem:s20+$0x10];
	v22 =	vsub.f32 v14, v15  }
0x68: {  	v14 =	vld [tilespmem:s24+$0xFFFFFFF0];
	v23 =	vshll.u32 v16, $0x10  }
0x69: {  	v15 =	vld [tilespmem:s23+$0x0];
	v24 =	vsub.f32 v13, v17;
	v13 =	vmul.f32 v23, v22  }
0x6a: {  	v17 =	vld [tilespmem:s24+$0x0];
	v25 =	vand.u32 $0xFFFF0000, v16  }
0x6b: {  	v16 =	vld [tilespmem:s20+$0x20];
	v26 =	vsub.f32 v18, v19;
	v18 =	vmul.f32 v25, v24;
	v13 =	vadd.f32 $0.0e+00, v13  }
0x6c: {  	v11 =	vld [tilespmem:s24+$0x10];
	v27 =	vshll.u32 v20, $0x10  }
0x6d: {  	v8 =	vld [tilespmem:s23+$0x20];
	v28 =	vsub.f32 v12, v14;
	v14 =	vmul.f32 v27, v26;
	v13 =	vadd.f32 v18, v13  }
0x6e: {  	v9 =	vld [tilespmem:s24+$0x20];
	v29 =	vand.u32 $0xFFFF0000, v20  }
0x6f: {  	s21 =	sadd.s32 $0x80, s23;
	v7 =	vld [tilespmem:s20+$0x30];
	v30 =	vsub.f32 v15, v17;
	v13 =	vadd.f32 v14, v13;
	v14 =	vmul.f32 v29, v28  }
0x70: {  	v37 =	vld [tilespmem:s21+$0x0];
	v31 =	vshll.u32 v16, $0x10  }
0x71: {  	v39 =	vld [tilespmem:s21+$0xFFFFFFF0];
	v21 =	vsub.f32 v10, v11;
	v11 =	vadd.f32 v14, v13;
	v13 =	vmul.f32 v31, v30  }
0x72: {  	v51 =	vld [tilespmem:s21+$0xFFFFFFC0];
	v32 =	vand.u32 $0xFFFF0000, v16  }
0x73: {  	v19 =	vld [tilespmem:s20+$0xFFFFFFF0];
	v8 =	vsub.f32 v8, v9;
	v9 =	vadd.f32 v13, v11;
	v11 =	vmul.f32 v32, v21  }
0x74: {  	s23 =	sadd.s32 $0x80, s24;
	v33 =	vshll.u32 v7, $0x10;
	v20 =	vld [tilespmem:s21+$0x10]  }
0x75: {  	v34 =	vsub.f32 v5, v6;
	v10 =	vld [tilespmem:s23+$0x30];
	v6 =	vmul.f32 v33, v8;
	v5 =	vadd.f32 v11, v9  }
0x76: {  	v35 =	vand.u32 $0xFFFF0000, v7;
	v38 =	vld [tilespmem:s23+$0x0]  }
0x77: {  	v40 =	vld [tilespmem:s23+$0xFFFFFFF0];
	v5 =	vadd.f32 v6, v5;
	v6 =	vmul.f32 v35, v34  }
0x78: {  	v54 =	vld [tilespmem:s23+$0xFFFFFFC0]  }
0x79: {  	v12 =	vld [tilespmem:s20+$0xFFFFFFE0];
	v5 =	vadd.f32 v6, v5  }
0x7a: {  	v15 =	vld [tilespmem:s20+$0xFFFFFFC0]  }
0x7b: {  	v16 =	vld [tilespmem:s21+$0x20];
	v6 =	vperm.xlane v5, v0  }
0x7c: {  	s24 =	sadd.s32 $0x80, s20;
	v18 =	vld [tilespmem:s20+$0xFFFFFFD0]  }
0x7d: {  	v45 =	vshll.u32 v19, $0x10;
	v14 =	vld [tilespmem:s24+$0x30];
	v6 =	vadd.f32 v5, v6  }
0x7e: {  	v43 =	vand.u32 $0xFFFF0000, v19;
	v8 =	vadd.f32 v45, v8;
	v13 =	vld [tilespmem:s23+$0x20]  }
0x7f: {  	v55 =	vld [tilespmem:s24+$0x0];
	v47 =	vshll.u32 v12, $0x10;
	v48 =	vand.u32 $0xFFFF0000, v12;
	v7 =	vperm.xlane v6, v1  }
0x80: {  	v19 =	vld [tilespmem:s21+$0xFFFFFFD0];
	v50 =	vshll.u32 v15, $0x10;
	v53 =	vand.u32 $0xFFFF0000, v15;
	v12 =	vsub.f32 v37, v38  }
0x81: {  	v46 =	vand.u32 $0xFFFF0000, v18;
	v49 =	vshll.u32 v18, $0x10;
	v18 =	vld [tilespmem:s23+$0xFFFFFFD0];
	v52 =	vadd.f32 v6, v7  }
0x82: {  	v36 =	vld [tilespmem:s24+$0x20];
	v15 =	vsub.f32 v39, v40;
	v57 =	vadd.f32 v48, v21;
	v5 =	vand.u32 $0xFFFF0000, v14  }
0x83: {  	v17 =	vld [tilespmem:s21+$0x30];
	v7 =	vshll.u32 v14, $0x10;
	v14 =	vsub.f32 v16, v13;
	v16 =	vperm.xlane v52, v2  }
0x84: {  	v30 =	vadd.f32 v47, v30;
	v22 =	vadd.f32 v50, v22;
	v11 =	vld [tilespmem:s23+$0x10]  }
0x85: {  	v41 =	vld [tilespmem:s24+$0x10];
	v24 =	vadd.f32 v53, v24;
	v52 =	vadd.f32 v52, v16  }
0x86: {  	v42 =	vld [tilespmem:s21+$0xFFFFFFE0];
	v21 =	vshll.u32 v55, $0x10;
	v18 =	vsub.f32 v19, v18;
	v19 =	vsub.f32 v51, v54  }
0x87: {  	v44 =	vld [tilespmem:s23+$0xFFFFFFE0];
	v28 =	vadd.f32 v46, v28;
	v26 =	vadd.f32 v49, v26;
	v56 =	vperm.xlane v52, v3  }
0x88: {  	v9 =	vand.u32 $0xFFFF0000, v36;
	v58 =	vmul.f32 v21, v19;
	v6 =	vsub.f32 v17, v10  }
0x89: {  	v10 =	vsub.f32 v20, v11;
	v11 =	vshll.u32 v36, $0x10;
	v36 =	vadd.f32 v52, v56  }
0x8a: {  	s22 =	sadd.s32 $0x80, s21;
	v34 =	vadd.f32 v43, v34;
	v37 =	vadd.f32 $0.0e+00, v58;
	v13 =	vand.u32 $0xFFFF0000, v41  }
0x8b: {  	v63 =	vld [tilespmem:s22+$0x10];
	v20 =	vand.u32 $0xFFFF0000, v55;
	v23 =	vmul.f32 v23, v36;
	v25 =	vmul.f32 v25, v36  }
0x8c: {  	v61 =	vld [tilespmem:s24+$0xFFFFFFD0];
	v17 =	vsub.f32 v42, v44;
	v59 =	vmul.f32 v20, v18;
	v16 =	vshll.u32 v41, $0x10  }
0x8d: {  	v62 =	vld [tilespmem:s24+$0xFFFFFFC0];
	v27 =	vmul.f32 v27, v36;
	v22 =	vsub.f32 v22, v23;
	v23 =	vsub.f32 v24, v25  }
0x8e: {  	s19 =	sadd.s32 $0x80, s24;
	v40 =	vld [tilespmem:s24+$0xFFFFFFF0];
	v60 =	vmul.f32 v16, v17;
	v29 =	vmul.f32 v29, v36;
	v25 =	vadd.f32 v59, v37  }
0x8f: {  	v46 =	vld [tilespmem:s19+$0x30];
	s23 =	sadd.s32 $0x80, s23;
	v26 =	vsub.f32 v26, v27;
	v22 =	vand.u32 $0x7FFFFFFF, v22;
	v23 =	vand.u32 $0x7FFFFFFF, v23  }
0x90: {  	v47 =	vld [tilespmem:s23+$0x20];
	v27 =	vmul.f32 v13, v15;
	v25 =	vadd.f32 v60, v25;
	v22 =	vadd.f32 v23, v22  }
0x91: {  	v45 =	vld [tilespmem:s23+$0xFFFFFFD0];
	v28 =	vsub.f32 v28, v29;
	v29 =	vmul.f32 v31, v36;
	v26 =	vand.u32 $0x7FFFFFFF, v26  }
0x92: {  	v49 =	vld [tilespmem:s23+$0xFFFFFFC0];
	v25 =	vadd.f32 v27, v25;
	v27 =	vmul.f32 v11, v12;
	v22 =	vadd.f32 v26, v22  }
0x93: {  	v43 =	vld [tilespmem:s23+$0xFFFFFFE0];
	v26 =	vand.u32 $0x7FFFFFFF, v28;
	v28 =	vsub.f32 v30, v29;
	v29 =	vmul.f32 v32, v36  }
0x94: {  	v58 =	vld [tilespmem:s22+$0x0];
	v25 =	vadd.f32 v27, v25;
	v27 =	vmul.f32 v9, v10;
	v22 =	vadd.f32 v22, v26  }
0x95: {  	v41 =	vld [tilespmem:s19+$0x10];
	v26 =	vand.u32 $0x7FFFFFFF, v28;
	v28 =	vsub.f32 v57, v29;
	v29 =	vmul.f32 v33, v36  }
0x96: {  	v24 =	vld [tilespmem:s24+$0xFFFFFFE0];
	v25 =	vadd.f32 v27, v25;
	v27 =	vmul.f32 v7, v14;
	v22 =	vadd.f32 v22, v26  }
0x97: {  	v59 =	vld [tilespmem:s22+$0xFFFFFFF0];
	v26 =	vand.u32 $0x7FFFFFFF, v28;
	v28 =	vsub.f32 v8, v29;
	v29 =	vmul.f32 v35, v36  }
0x98: {  	v60 =	vld [tilespmem:s23+$0xFFFFFFF0];
	v25 =	vadd.f32 v27, v25;
	v27 =	vmul.f32 v5, v6;
	v22 =	vadd.f32 v22, v26  }
0x99: {  	v39 =	vshll.u32 v62, $0x10;
	v56 =	vld [tilespmem:s23+$0x10];
	v26 =	vand.u32 $0x7FFFFFFF, v28;
	v28 =	vsub.f32 v34, v29  }
0x9a: {  	s24 =	simm.s32 $0x0;
	v37 =	vshll.u32 v61, $0x10;
	v30 =	vld [tilespmem:s22+$0x20];
	v25 =	vadd.f32 v27, v25;
	v22 =	vadd.f32 v22, v26  }
0x9b: {  	v31 =	vld [tilespmem:s23+$0x30];
	v32 =	vshll.u32 v24, $0x10;
	v26 =	vmov s24;
	v28 =	vand.u32 $0x7FFFFFFF, v28  }
0x9c: {  	v23 =	vld [tilespmem:s22+$0x30];
	vm0 =	veq.s32 v26, v4;
	v26 =	vperm.xlane v25, v0;
	v28 =	vadd.f32 v22, v28  }
0x9d: {  	v57 =	vld [tilespmem:s19+$0x20];
	v33 =	vand.u32 $0xFFFF0000, v24;
	v38 =	vsub.f32 v59, v60;
	v8 =	vimm.f32 $0.0e+00  }
0x9e: {  	v36 =	vshll.u32 v40, $0x10;
	v29 =	vld [tilespmem:s23+$0x0];
	v25 =	vadd.f32 v25, v26;
	v24 =	vperm.xlane v28, v0  }
0x9f: {  	v42 =	vld [tilespmem:s22+$0xFFFFFFE0];
	v30 =	vsub.f32 v30, v47;
	v34 =	vand.u32 $0xFFFF0000, v61;
	v27 =	vand.u32 $0xFFFF0000, v40  }
0xa0: {  	v44 =	vld [tilespmem:s22+$0xFFFFFFD0];
	v40 =	vand.u32 $0xFFFF0000, v62;
	v61 =	vperm.xlane v25, v1;
	v62 =	vadd.f32 v28, v24  }
0xa1: {  	v47 =	vld [tilespmem:s22+$0xFFFFFFC0];
	v22 =	vand.u32 $0xFFFF0000, v46;
	v26 =	vsub.f32 v23, v31;
	v23 =	vshll.u32 v46, $0x10  }
0xa2: {  	v48 =	vld [tilespmem:s19+$0x0];
	v31 =	vsub.f32 v63, v56;
	v46 =	vadd.f32 v25, v61;
	v63 =	vperm.xlane v62, v1  }
0xa3: {  	v35 =	vsub.f32 v58, v29;
	v24 =	vand.u32 $0xFFFF0000, v57;
	v28 =	vand.u32 $0xFFFF0000, v41  }
0xa4: {  	s21 =	simm.s32 $0x1;
	s20 =	simm.s32 $0x2;
	s24 =	simm.s32 $0x3;
	v25 =	vshll.u32 v57, $0x10;
	v50 =	vperm.xlane v46, v2;
	v29 =	vadd.f32 v62, v63  }
.LBB2_3:
0xa5: {  	p0 =	sne.s32 s24, $0xF;
	v44 =	vsub.f32 v44, v45;
	v41 =	vshll.u32 v41, $0x10;
	v42 =	vsub.f32 v42, v43  }
0xa6: {  	v43 =	vsub.f32 v47, v49;
	v45 =	vadd.f32 v46, v50;
	v46 =	vperm.xlane v29, v2  }
0xa7: {  	v36 =	vadd.f32 v36, v14;
	v27 =	vadd.f32 v27, v6;
	v6 =	vmovc v26;
	v14 =	vmovc v30;
	v47 =	vand.u32 $0xFFFF0000, v48  }
0xa8: {  	v30 =	vadd.f32 v33, v10;
	v10 =	vmovc v31;
	v26 =	vperm.xlane v45, v3;
	v29 =	vadd.f32 v29, v46  }
0xa9: {  	v33 =	vadd.f32 v34, v15;
	v32 =	vadd.f32 v32, v12;
	v12 =	vmovc v35;
	v15 =	vmovc v38;
	v31 =	vshll.u32 v48, $0x10  }
0xaa: {  	v34 =	vadd.f32 v37, v17;
	v17 =	vmovc v42;
	v26 =	vadd.f32 v45, v26;
	v35 =	vperm.xlane v29, v3  }
0xab: {  	v38 =	vadd.f32 v39, v19;
	v39 =	vadd.f32 v40, v18;
	v18 =	vmovc v44;
	v37 =	vmul.f32 v31, v43  }
0xac: {  	v19 =	vmovc v43;
	v40 =	vld [tilespmem:s19+$0xFFFFFFF0];
	v46 =	vmul.f32 v21, v26;
	v42 =	vmul.f32 v20, v26;
	v29 =	vadd.f32 v29, v35  }
0xad: {  	v35 =	vadd.f32 $0.0e+00, v37;
	v37 =	vmul.f32 v47, v18;
	v43 =	vmul.f32 v16, v26;
	v16 =	vmovc v41;
	v20 =	vmovc v47;
	v44 =	vld [tilespmem:s19+$0xFFFFFFE0]  }
0xae: {  	v21 =	vmovc v31;
	v45 =	vld [tilespmem:s19+$0xFFFFFFD0];
	v38 =	vsub.f32 v38, v46;
	v39 =	vsub.f32 v39, v42;
	v8 =	vsel vm0, v29, v8  }
0xaf: {  	s22 =	sadd.s32 $0x80, s22;
	v31 =	vmul.f32 v16, v17;
	v29 =	vadd.f32 v37, v35;
	v37 =	vmul.f32 v13, v26;
	v13 =	vmovc v28;
	v35 =	vld [tilespmem:s19+$0xFFFFFFC0]  }
0xb0: {  	s23 =	sadd.s32 $0x80, s23;
	v34 =	vsub.f32 v34, v43;
	v28 =	vld [tilespmem:s22+$0x30];
	v38 =	vand.u32 $0x7FFFFFFF, v38;
	v39 =	vand.u32 $0x7FFFFFFF, v39  }
0xb1: {  	s19 =	sadd.s32 $0x80, s19;
	v29 =	vadd.f32 v31, v29;
	v31 =	vmul.f32 v13, v15;
	v46 =	vld [tilespmem:s23+$0x30];
	v38 =	vadd.f32 v39, v38  }
0xb2: {  	v34 =	vand.u32 $0x7FFFFFFF, v34;
	v33 =	vsub.f32 v33, v37;
	v37 =	vmul.f32 v11, v26;
	v11 =	vmovc v25;
	v48 =	vld [tilespmem:s19+$0x30]  }
0xb3: {  	v29 =	vadd.f32 v31, v29;
	v31 =	vmul.f32 v11, v12;
	v25 =	vld [tilespmem:s22+$0x20];
	v34 =	vadd.f32 v34, v38  }
0xb4: {  	v33 =	vand.u32 $0x7FFFFFFF, v33;
	v32 =	vsub.f32 v32, v37;
	v37 =	vmul.f32 v9, v26;
	v9 =	vmovc v24;
	v38 =	vld [tilespmem:s23+$0x20]  }
0xb5: {  	v24 =	vadd.f32 v31, v29;
	v29 =	vmul.f32 v9, v10;
	v50 =	vld [tilespmem:s22+$0x10];
	v31 =	vadd.f32 v34, v33  }
0xb6: {  	v32 =	vand.u32 $0x7FFFFFFF, v32;
	v30 =	vsub.f32 v30, v37;
	v33 =	vmul.f32 v7, v26;
	v7 =	vmovc v23;
	v51 =	vld [tilespmem:s23+$0x10]  }
0xb7: {  	v23 =	vadd.f32 v29, v24;
	v24 =	vmul.f32 v7, v14;
	v52 =	vld [tilespmem:s19+$0x20];
	v29 =	vadd.f32 v31, v32  }
0xb8: {  	v26 =	vmul.f32 v5, v26;
	v5 =	vmovc v22;
	v30 =	vand.u32 $0x7FFFFFFF, v30;
	v31 =	vsub.f32 v36, v33;
	v53 =	vld [tilespmem:s22+$0x0]  }
0xb9: {  	v22 =	vadd.f32 v24, v23;
	v23 =	vmul.f32 v5, v6;
	v54 =	vld [tilespmem:s23+$0x0];
	v24 =	vadd.f32 v29, v30  }
0xba: {  	v26 =	vsub.f32 v27, v26;
	v30 =	vand.u32 $0x7FFFFFFF, v31;
	v29 =	vld [tilespmem:s22+$0xFFFFFFF0]  }
0xbb: {  	v22 =	vadd.f32 v23, v22;
	v55 =	vld [tilespmem:s23+$0xFFFFFFF0];
	v23 =	vadd.f32 v24, v30;
	v24 =	vmov s21;
	s21 =	smov.u32 s20;
	s20 =	smov.u32 s24  }
0xbc: {  	v27 =	vand.u32 $0xFFFF0000, v40;
	v26 =	vand.u32 $0x7FFFFFFF, v26;
	v41 =	vld [tilespmem:s19+$0x10];
	vm0 =	veq.s32 v24, v4  }
0xbd: {  	v36 =	vshll.u32 v40, $0x10;
	v24 =	vperm.xlane v22, v0;
	v42 =	vld [tilespmem:s22+$0xFFFFFFE0];
	v23 =	vadd.f32 v23, v26  }
0xbe: {  	v34 =	vand.u32 $0xFFFF0000, v45;
	v32 =	vshll.u32 v44, $0x10;
	v33 =	vand.u32 $0xFFFF0000, v44;
	v43 =	vld [tilespmem:s23+$0xFFFFFFE0]  }
0xbf: {  	v37 =	vshll.u32 v45, $0x10;
	v56 =	vadd.f32 v22, v24;
	v44 =	vld [tilespmem:s22+$0xFFFFFFD0];
	v24 =	vperm.xlane v23, v0  }
0xc0: {  	v39 =	vshll.u32 v35, $0x10;
	v40 =	vand.u32 $0xFFFF0000, v35;
	v22 =	vand.u32 $0xFFFF0000, v48;
	v45 =	vld [tilespmem:s23+$0xFFFFFFD0]  }
.Ltmp0:
0xc1: {  	v26 =	vsub.f32 v28, v46;
	v28 =	vperm.xlane v56, v1;
	v47 =	vld [tilespmem:s22+$0xFFFFFFC0];
	v57 =	vadd.f32 v23, v24;
	(pc) =	sbr.rel @p0 .LBB2_3-.Ltmp0, $4  }
0xc2: {  	v30 =	vsub.f32 v25, v38;
	v24 =	vand.u32 $0xFFFF0000, v52;
	v23 =	vshll.u32 v48, $0x10;
	v49 =	vld [tilespmem:s23+$0xFFFFFFC0]  }
0xc3: {  	v31 =	vsub.f32 v50, v51;
	v46 =	vadd.f32 v56, v28;
	v48 =	vld [tilespmem:s19+$0x0];
	v51 =	vperm.xlane v57, v1  }
0xc4: {  	v25 =	vshll.u32 v52, $0x10;
	v35 =	vsub.f32 v53, v54;
	v28 =	vand.u32 $0xFFFF0000, v41  }
0xc5: {  	s24 =	sadd.s32 $0x1, s24;
	v38 =	vsub.f32 v29, v55;
	v50 =	vperm.xlane v46, v2;
	v29 =	vadd.f32 v57, v51  }
0xc6: {  	_ = 	snop  }
0xc7: {  	v47 =	vsub.f32 v47, v49  }
0xc8: {  	v49 =	vshll.u32 v48, $0x10  }
0xc9: {  	v44 =	vsub.f32 v44, v45;
	v58 =	vmul.f32 v49, v47  }
0xca: {  	v48 =	vand.u32 $0xFFFF0000, v48  }
0xcb: {  	v42 =	vsub.f32 v42, v43;
	v60 =	vmul.f32 v48, v44;
	v59 =	vadd.f32 $0.0e+00, v58  }
0xcc: {  	v41 =	vshll.u32 v41, $0x10  }
0xcd: {  	v61 =	vmul.f32 v41, v42;
	v43 =	vadd.f32 v60, v59;
	_ =	sdelay $0x1  }
0xce: {  	v62 =	vmul.f32 v28, v38;
	v43 =	vadd.f32 v61, v43;
	_ =	sdelay $0x1  }
0xcf: {  	v63 =	vmul.f32 v25, v35;
	v43 =	vadd.f32 v62, v43;
	_ =	sdelay $0x1  }
0xd0: {  	v51 =	vmul.f32 v24, v31;
	v43 =	vadd.f32 v63, v43;
	_ =	sdelay $0x1  }
0xd1: {  	v52 =	vmul.f32 v23, v30;
	v43 =	vadd.f32 v51, v43;
	_ =	sdelay $0x1  }
0xd2: {  	v53 =	vmul.f32 v22, v26;
	v43 =	vadd.f32 v52, v43;
	_ =	sdelay $0x1  }
0xd3: {  	v46 =	vadd.f32 v46, v50;
	v43 =	vadd.f32 v53, v43  }
0xd4: {  	v19 =	vadd.f32 v39, v19  }
0xd5: {  	v18 =	vadd.f32 v40, v18;
	v50 =	vperm.xlane v46, v3;
	v55 =	vperm.xlane v43, v0  }
0xd6: {  	v14 =	vadd.f32 v36, v14;
	v17 =	vadd.f32 v37, v17  }
0xd7: {  	v54 =	vadd.f32 v46, v50;
	v56 =	vadd.f32 v43, v55  }
0xd8: {  	v15 =	vadd.f32 v34, v15;
	v12 =	vadd.f32 v32, v12  }
0xd9: {  	v10 =	vadd.f32 v33, v10;
	v21 =	vmul.f32 v21, v54;
	v57 =	vperm.xlane v56, v1  }
0xda: {  	v6 =	vadd.f32 v27, v6;
	v20 =	vmul.f32 v20, v54;
	v16 =	vmul.f32 v16, v54  }
0xdb: {  	v13 =	vmul.f32 v13, v54;
	v11 =	vmul.f32 v11, v54;
	v59 =	vadd.f32 v56, v57  }
0xdc: {  	v9 =	vmul.f32 v9, v54;
	v19 =	vsub.f32 v19, v21;
	v18 =	vsub.f32 v18, v20  }
0xdd: {  	v16 =	vsub.f32 v17, v16;
	v13 =	vsub.f32 v15, v13;
	v61 =	vld [tilespmem:s19+$0xFFFFFFC0];
	v60 =	vperm.xlane v59, v2  }
0xde: {  	v7 =	vmul.f32 v7, v54;
	v11 =	vsub.f32 v12, v11;
	v9 =	vsub.f32 v10, v9  }
0xdf: {  	v58 =	vand.u32 $0x7FFFFFFF, v19;
	v18 =	vand.u32 $0x7FFFFFFF, v18;
	v62 =	vld [tilespmem:s19+$0xFFFFFFD0];
	v63 =	vadd.f32 v59, v60  }
0xe0: {  	v7 =	vsub.f32 v14, v7;
	v16 =	vand.u32 $0x7FFFFFFF, v16;
	v17 =	vadd.f32 v18, v58  }
0xe1: {  	v21 =	vld [tilespmem:s19+$0xFFFFFFE0];
	v13 =	vand.u32 $0x7FFFFFFF, v13;
	v19 =	vand.u32 $0x7FFFFFFF, v11;
	v20 =	vperm.xlane v63, v3  }
0xe2: {  	v9 =	vand.u32 $0x7FFFFFFF, v9;
	v16 =	vadd.f32 v16, v17;
	v27 =	vshll.u32 v61, $0x10  }
0xe3: {  	v33 =	vand.u32 $0xFFFF0000, v61;
	v14 =	vadd.f32 v27, v47;
	v11 =	vadd.f32 v63, v20  }
0xe4: {  	v15 =	vadd.f32 v33, v44;
	v13 =	vadd.f32 v16, v13;
	v32 =	vshll.u32 v62, $0x10  }
0xe5: {  	v37 =	vand.u32 $0xFFFF0000, v62;
	v34 =	vmul.f32 v49, v11;
	v36 =	vmul.f32 v48, v11  }
0xe6: {  	v12 =	vadd.f32 v32, v42;
	v10 =	vadd.f32 v13, v19;
	v13 =	vand.u32 $0xFFFF0000, v21  }
0xe7: {  	v39 =	vld [tilespmem:s19+$0xFFFFFFF0];
	v40 =	vmul.f32 v41, v11;
	v14 =	vsub.f32 v14, v34;
	v15 =	vsub.f32 v15, v36  }
0xe8: {  	v9 =	vadd.f32 v10, v9;
	v10 =	vadd.f32 v37, v38;
	v42 =	vmul.f32 v28, v11  }
0xe9: {  	v12 =	vsub.f32 v12, v40;
	v14 =	vand.u32 $0x7FFFFFFF, v14;
	v15 =	vand.u32 $0x7FFFFFFF, v15  }
0xea: {  	v41 =	vshll.u32 v21, $0x10;
	v43 =	vmul.f32 v25, v11;
	v14 =	vadd.f32 v15, v14  }
0xeb: {  	v16 =	vadd.f32 v41, v35;
	v10 =	vsub.f32 v10, v42;
	v12 =	vand.u32 $0x7FFFFFFF, v12  }
0xec: {  	v44 =	vshll.u32 v39, $0x10;
	v13 =	vadd.f32 v13, v31;
	v12 =	vadd.f32 v12, v14  }
0xed: {  	v47 =	vmul.f32 v24, v11;
	v46 =	vsub.f32 v16, v43;
	v10 =	vand.u32 $0x7FFFFFFF, v10  }
0xee: {  	v5 =	vmul.f32 v5, v54;
	v49 =	vadd.f32 v44, v30;
	v10 =	vadd.f32 v12, v10  }
0xef: {  	v51 =	vmul.f32 v23, v11;
	v13 =	vsub.f32 v13, v47;
	v50 =	vand.u32 $0x7FFFFFFF, v46  }
0xf0: {  	v48 =	vand.u32 $0xFFFF0000, v39;
	v11 =	vmul.f32 v22, v11;
	v10 =	vadd.f32 v10, v50  }
0xf1: {  	v52 =	vadd.f32 v48, v26;
	v54 =	vsub.f32 v49, v51;
	v53 =	vand.u32 $0x7FFFFFFF, v13  }
0xf2: {  	v5 =	vsub.f32 v6, v5;
	v7 =	vand.u32 $0x7FFFFFFF, v7;
	v6 =	vadd.f32 v10, v53  }
0xf3: {  	v7 =	vadd.f32 v9, v7;
	v56 =	vsub.f32 v52, v11;
	v55 =	vand.u32 $0x7FFFFFFF, v54  }
0xf4: {  	v5 =	vand.u32 $0x7FFFFFFF, v5;
	v6 =	vadd.f32 v6, v55  }
0xf5: {  	v5 =	vadd.f32 v7, v5;
	v7 =	vand.u32 $0x7FFFFFFF, v56  }
0xf6: {  	v6 =	vadd.f32 v6, v7  }
0xf7: {  	v7 =	vperm.xlane v5, v0  }
0xf8: {  	v57 =	vperm.xlane v6, v0  }
0xf9: {  	v5 =	vadd.f32 v5, v7  }
0xfa: {  	v6 =	vadd.f32 v6, v57  }
0xfb: {  	v7 =	vperm.xlane v5, v1  }
0xfc: {  	v9 =	vperm.xlane v6, v1  }
0xfd: {  	v5 =	vadd.f32 v5, v7  }
0xfe: {  	v58 =	vperm.xlane v29, v2;
	v6 =	vadd.f32 v6, v9  }
0xff: {  	v59 =	vperm.xlane v5, v2  }
0x100: {  	v7 =	vadd.f32 v29, v58;
	v60 =	vperm.xlane v6, v2  }
0x101: {  	v5 =	vadd.f32 v5, v59  }
0x102: {  	v61 =	vperm.xlane v7, v3;
	v6 =	vadd.f32 v6, v60  }
0x103: {  	s24 =	sshll.u32 s18, $0x4;
	s18 =	sadd.s32 $0x1, s18;
	v9 =	vperm.xlane v5, v3  }
0x104: {  	p0 =	sne.s32 s18, $0x20;
	v62 =	vmov s21;
	v7 =	vadd.f32 v7, v61;
	v10 =	vperm.xlane v6, v3  }
.Ltmp1:
0x105: {  	vm14 =	veq.s32 v62, v4;
	v5 =	vadd.f32 v5, v9;
	(pc) =	sbr.rel @p0 .LBB2_2-.Ltmp1, $4  }
0x106: {  	v63 =	vmov s20;
	v7 =	vsel vm0, v7, v8;
	v6 =	vadd.f32 v6, v10  }
0x107: {  	vm15 =	veq.s32 v63, v4;
	v5 =	vsel vm14, v5, v7  }
0x108: {  	s19 =	sand.u32 $0x3FFFFFF0, s24;
	v5 =	vsel vm15, v6, v5  }
0x109: {  	s17 =	sadd.s32 $0x1, s17;
	[tilespmem:s19+$0xC600] =	vst v5  }
0x10a: {  	s16 =	sadd.s32 $0x1, s16  }
0x10b: {  	p0 =	sne.s32 s16, s9  }
.Ltmp2:
0x10c: {  	_ = 	snop;
	(pc) =	sbr.rel @p0 .LBB2_1-.Ltmp2, $4  }
0x10d: {  	[hbm4b:s8+s4] =	stream.linear.scatter [tilespmem:s14], [sflag:$0xA], $0x200, $0x38;
	[tilespmem:$0xC800] =	vst v63  }
0x10e: {  	_ =	swait.ge [sflag:s15], $0x200  }
0x10f: {  	[sflag:s15] =	ssyncset.done $0x0  }
0x110: {  	[sflag:s15] =	ssyncadd.s32 $0xFFFFFE00  }
0x111: {  	_ =	sfence.sel $0x180000  }
0x112: {  	[bflag:$0x0] =	sbarrier.arrive $0xFFFF  }
0x113: {  	_ =	strace $0x90000047  }
0x114: {  	s0 =	stileid.u32;
	[bflag:$0x2] =	sbarrier.arrive $0xFFFF  }
0x115: {  	p0 =	sne.s32 s0, $0x0;
	s0 =	rddreg [dreg:$0x6]  }
0x116: {  	s0 =	sadd.s32 @!p0 $0x100000, s0  }
0x117: {  	[sflag:s0] =	ssyncadd.tile.s32 @!p0 $0x1;
	_ =	shalt  }
.Lfunc_end2:
_tile_overlayer_lowered:
.L_overlay_start_2:
0x118: {  	(tag) =	ssettag $0x2  }
0x119: {  	s0 =	rddreg [dreg:$0x0];
	s2 =	stileid.u32  }
0x11a: {  	s1 =	rddreg [dreg:$0x1];
	p0 =	sne.s32 s2, $0x0  }
0x11b: {  	s3 =	rddreg [dreg:$0x2];
	[bflag:$0x3] =	sbarrier.arrive $0xFFFF;
	s2 =	simm.s32 @!p0 $0x1C0A  }
0x11c: {  	[timem:s3], [sflag:s2] =	dma.local @!p0 [hbm:s0], s1  }
0x11d: {  	s0 =	simm.s32 @!p0 $0xA  }
0x11e: {  	_ =	swait.ge @!p0 [sflag:s0], s1  }
0x11f: {  	s1 =	ssub.s32 @!p0 $0x0, s1;
	[sflag:s0] =	ssyncset.done @!p0 $0x0  }
0x120: {  	[sflag:s0] =	ssyncadd.s32 @!p0 s1  }
0x121: {  	[bflag:$0x3] =	sbarrier.arrive $0xFFFF  }
0x122: {  	_ =	shalt  }

</sc_bundles>
